<compile_context>
chip_gen: v7x
topology: tpu7x:2x2x1
jax: 0.10.2.dev20260603
libtpu: 0.0.44.dev20260713+nightly
codegen_flags: <defaults>
</compile_context>

<pallas_src>
import functools

import jax
import jax.numpy as jnp
from jax import lax
from jax.experimental import pallas as pl
from jax.experimental.pallas import tpu as pltpu
from jax.experimental.pallas import tpu_sc as plsc

N = 10000
NP = 10240
D = 128
GROUP = 128
NW = 32
ROWS_PER_SUB = NP // 16

@functools.cache
def _mesh():
    return plsc.VectorSubcoreMesh(core_axis_name="c", subcore_axis_name="s")


_EQ = NW * GROUP


def _pad_edges(src, dst):
    e = src.shape[0]
    e_pad = ((e + _EQ - 1) // _EQ) * _EQ
    pad = e_pad - e
    srcp = jnp.concatenate([src, jnp.zeros((pad,), jnp.int32)])
    dstp = jnp.concatenate([dst, jnp.full((pad,), N, jnp.int32)])
    return srcp, dstp, e_pad


def _make_deg_kernel(e_pad):
    per_w = e_pad // NW
    groups = per_w // GROUP

    @functools.partial(
        pl.kernel,
        out_type=jax.ShapeDtypeStruct((2 * NP, D), jnp.float32),
        mesh=_mesh(),
        scratch_types=[
            pltpu.VMEM((GROUP,), jnp.int32),
            pltpu.VMEM((GROUP, D), jnp.float32),
            pltpu.VMEM_SHARED((NP, D), jnp.float32),
        ],
    )
    def deg_kernel(dsts, zeros16, ones16, out, didx, obuf, acc):
        c = lax.axis_index("c")
        s = lax.axis_index("s")
        wid = c * 16 + s
        pltpu.sync_copy(ones16, obuf)
        pltpu.sync_copy(
            zeros16.at[pl.ds(s * ROWS_PER_SUB, ROWS_PER_SUB)],
            acc.at[pl.ds(s * ROWS_PER_SUB, ROWS_PER_SUB)],
        )
        plsc.subcore_barrier()
        base = wid * per_w

        def body(g, carry):
            off = base + g * GROUP
            pltpu.sync_copy(dsts.at[pl.ds(off, GROUP)], didx)
            pltpu.sync_copy(obuf, acc.at[didx], add=True)
            return carry

        lax.fori_loop(0, groups, body, 0)
        plsc.subcore_barrier()
        pltpu.sync_copy(
            acc.at[pl.ds(s * ROWS_PER_SUB, ROWS_PER_SUB)],
            out.at[pl.ds(c * NP + s * ROWS_PER_SUB, ROWS_PER_SUB)],
        )

    return deg_kernel


def _make_scatter_kernel(e_pad):
    per_w = e_pad // NW
    t_w = per_w // GROUP

    @functools.partial(
        pl.kernel,
        out_type=jax.ShapeDtypeStruct((2 * NP, D), jnp.float32),
        mesh=_mesh(),
        scratch_types=[
            pltpu.VMEM((GROUP,), jnp.int32),
            pltpu.VMEM((GROUP,), jnp.int32),
            pltpu.VMEM((GROUP, D), jnp.float32),
            pltpu.VMEM_SHARED((NP, D), jnp.float32),
            pltpu.SemaphoreType.DMA,
        ],
    )
    def scat_kernel(table, srcs, dsts, zeros, out, sidx, didx, rows, acc, sem):
        c = lax.axis_index("c")
        s = lax.axis_index("s")
        wid = c * 16 + s
        base = wid * per_w
        pltpu.sync_copy(
            zeros.at[pl.ds(s * ROWS_PER_SUB, ROWS_PER_SUB)],
            acc.at[pl.ds(s * ROWS_PER_SUB, ROWS_PER_SUB)],
        )
        plsc.subcore_barrier()

        def body(g, carry):
            off = base + g * GROUP
            pltpu.sync_copy(srcs.at[pl.ds(off, GROUP)], sidx)
            pltpu.sync_copy(dsts.at[pl.ds(off, GROUP)], didx)
            pltpu.async_copy(table.at[sidx], rows, sem).wait()
            pltpu.sync_copy(rows, acc.at[didx], add=True)
            return carry

        lax.fori_loop(0, t_w, body, 0)
        plsc.subcore_barrier()
        pltpu.sync_copy(
            acc.at[pl.ds(s * ROWS_PER_SUB, ROWS_PER_SUB)],
            out.at[pl.ds(c * NP + s * ROWS_PER_SUB, ROWS_PER_SUB)],
        )

    return scat_kernel


_BLK = 400
_GRID = N // _BLK


def _dinv(deg):
    return jnp.where(deg > 0, lax.rsqrt(deg), 0.0)


def _tc_pre_body(x_ref, w_ref, deg_ref, out_ref):
    h = jnp.dot(x_ref[...], w_ref[...], preferred_element_type=jnp.float32)
    out_ref[...] = h * _dinv(deg_ref[...])


def _tc_mid_body(p0_ref, p1_ref, hp_ref, deg_ref, b_ref, g_ref, bt_ref,
                 w_ref, out_ref):
    dinv = _dinv(deg_ref[...])
    u = dinv * (p0_ref[...] + p1_ref[...] + hp_ref[...]) + b_ref[...]
    mu = jnp.mean(u, axis=-1, keepdims=True)
    var = jnp.mean((u - mu) ** 2, axis=-1, keepdims=True)
    y = g_ref[...] * (u - mu) * lax.rsqrt(var + 1e-5) + bt_ref[...]
    f = jnp.maximum(y, 0.0)
    out_ref[...] = jnp.dot(f, w_ref[...],
                           preferred_element_type=jnp.float32) * dinv


def _tc_post_body(p0_ref, p1_ref, hp_ref, deg_ref, b_ref, g_ref, bt_ref,
                  out_ref):
    dinv = _dinv(deg_ref[...])
    u = dinv * (p0_ref[...] + p1_ref[...] + hp_ref[...]) + b_ref[...]
    mu = jnp.mean(u, axis=-1, keepdims=True)
    var = jnp.mean((u - mu) ** 2, axis=-1, keepdims=True)
    y = g_ref[...] * (u - mu) * lax.rsqrt(var + 1e-5) + bt_ref[...]
    out_ref[...] = jnp.maximum(y, 0.0)


_row_spec = pl.BlockSpec((_BLK, D), lambda i: (i, 0))
_w_spec = pl.BlockSpec((D, D), lambda i: (0, 0))
_deg_spec = pl.BlockSpec((_BLK, 1), lambda i: (i, 0))
_vec_spec = pl.BlockSpec((1, D), lambda i: (0, 0))


def _tc_pre(x, w, deg):
    return pl.pallas_call(
        _tc_pre_body,
        grid=(_GRID,),
        in_specs=[_row_spec, _w_spec, _deg_spec],
        out_specs=_row_spec,
        out_shape=jax.ShapeDtypeStruct((N, D), jnp.float32),
    )(x, w, deg)


def _tc_mid(p0, p1, hp, deg, b, g, bt, w):
    return pl.pallas_call(
        _tc_mid_body,
        grid=(_GRID,),
        in_specs=[_row_spec, _row_spec, _row_spec, _deg_spec,
                  _vec_spec, _vec_spec, _vec_spec, _w_spec],
        out_specs=_row_spec,
        out_shape=jax.ShapeDtypeStruct((N, D), jnp.float32),
    )(p0, p1, hp, deg, b, g, bt, w)


def _tc_post(p0, p1, hp, deg, b, g, bt):
    return pl.pallas_call(
        _tc_post_body,
        grid=(_GRID,),
        in_specs=[_row_spec, _row_spec, _row_spec, _deg_spec,
                  _vec_spec, _vec_spec, _vec_spec],
        out_specs=_row_spec,
        out_shape=jax.ShapeDtypeStruct((N, D), jnp.float32),
    )(p0, p1, hp, deg, b, g, bt)


def kernel(x, adj_t, W1, b1, g1, beta1, W2, b2, g2, beta2):
    src = adj_t[0].astype(jnp.int32)
    dst = adj_t[1].astype(jnp.int32)
    srcp, dstp, e_pad = _pad_edges(src, dst)

    ones16 = jnp.ones((GROUP, D), jnp.float32)
    zeros = jnp.zeros((NP, D), jnp.float32)

    deg16 = _make_deg_kernel(e_pad)(dstp, zeros, ones16)
    deg = (deg16[:N, 0] + deg16[NP:NP + N, 0] + 1.0).reshape(N, 1)

    b1r, g1r, bt1 = b1.reshape(1, D), g1.reshape(1, D), beta1.reshape(1, D)
    b2r, g2r, bt2 = b2.reshape(1, D), g2.reshape(1, D), beta2.reshape(1, D)

    scat = _make_scatter_kernel(e_pad)
    hp1 = _tc_pre(x, W1, deg)
    p1 = scat(hp1, srcp, dstp, zeros)
    hp2 = _tc_mid(p1[:N], p1[NP:NP + N], hp1, deg, b1r, g1r, bt1, W2)
    p2 = scat(hp2, srcp, dstp, zeros)
    return _tc_post(p2[:N], p2[NP:NP + N], hp2, deg, b2r, g2r, bt2)

# --- scband reference (transcript-rebuilt; emitter-appended) ---
"""Pipeline reference for scband-gcn-71975061946861 (READ-ONLY COPY).

The authoritative reference and input builder live on the scoring server;
editing this copy changes nothing except your own understanding.
"""

import jax, jax.numpy as jnp
import numpy as np

N = 10000
E = 320000
D = 128


def setup_inputs(seed: int = 0) -> dict:
    key = jax.random.key(seed)
    ks = jax.random.split(key, 12)
    x = jax.random.normal(ks[0], (N, D), dtype=jnp.float32)
    adj_t = jax.random.randint(ks[1], (2, E), 0, N, dtype=jnp.int32)
    s = 1.0 / np.sqrt(D)
    W1 = jax.random.normal(ks[2], (D, D), dtype=jnp.float32) * s
    b1 = jnp.zeros((D,), dtype=jnp.float32)
    g1 = jnp.ones((D,), dtype=jnp.float32)
    beta1 = jnp.zeros((D,), dtype=jnp.float32)
    W2 = jax.random.normal(ks[3], (D, D), dtype=jnp.float32) * s
    b2 = jnp.zeros((D,), dtype=jnp.float32)
    g2 = jnp.ones((D,), dtype=jnp.float32)
    beta2 = jnp.zeros((D,), dtype=jnp.float32)
    return {"x": x, "adj_t": adj_t, "W1": W1, "b1": b1, "g1": g1, "beta1": beta1, "W2": W2, "b2": b2, "g2": g2, "beta2": beta2}


def _layer_norm(h, gamma, beta, eps=1e-5):
    mu = jnp.mean(h, axis=-1, keepdims=True)
    var = jnp.mean((h - mu) ** 2, axis=-1, keepdims=True)
    return gamma * (h - mu) / jnp.sqrt(var + eps) + beta


def _gcn_conv(x, src, dst, W, b):
    # GCNConv with add_self_loops=True, normalize=True (PyG defaults)
    h = x @ W
    deg = jnp.zeros((N,), dtype=h.dtype).at[dst].add(1.0)
    dinv = jnp.where(deg > 0, jax.lax.rsqrt(deg), 0.0)
    norm = dinv[src] * dinv[dst]
    msg = h[src] * norm[:, None]
    out = jnp.zeros_like(h).at[dst].add(msg)
    return out + b


def reference(x, adj_t, W1, b1, g1, beta1, W2, b2, g2, beta2):
    loops = jnp.arange(N, dtype=adj_t.dtype)
    src = jnp.concatenate([adj_t[0], loops])
    dst = jnp.concatenate([adj_t[1], loops])
    # layer 1: conv -> LN -> dropout(p=0, eval) -> relu
    h = _gcn_conv(x, src, dst, W1, b1)
    h = _layer_norm(h, g1, beta1)
    h = jax.nn.relu(h)
    # layer 2
    h = _gcn_conv(h, src, dst, W2, b2)
    h = _layer_norm(h, g2, beta2)
    h = jax.nn.relu(h)
    return h

if __name__ == "__main__":
    import jax
    _d = setup_inputs()
    print(jax.jit(kernel)(*tuple(_d.values())))

</pallas_src>

<mosaic_0001>
#map = affine_map<(d0, d1) -> (0)>
#map1 = affine_map<(d0, d1) -> (0, 0)>
module attributes {stable_mosaic.version = 14 : i64} {
  func.func @deg_kernel(%arg0: i32, %arg1: i32, %arg2: memref<323584xi32, #tpu.memory_space<hbm>>, %arg3: memref<10240x128xf32, #tpu.memory_space<hbm>>, %arg4: memref<128x128xf32, #tpu.memory_space<hbm>>, %arg5: memref<20480x128xf32, #tpu.memory_space<hbm>>, %arg6: memref<128xi32, #tpu.memory_space<vmem>>, %arg7: memref<128x128xf32, #tpu.memory_space<vmem>>, %arg8: memref<10240x128xf32, #tpu.memory_space<vmem_shared>>) attributes {dimension_semantics = [#tpu.dimension_semantics<core_parallel>, #tpu.dimension_semantics<subcore_parallel>], iteration_bounds = array<i64: 2, 16>, scalar_prefetch = 0 : i64, scratch_operands = 3 : i64, tpu.core_type = #tpu.core_type<sc_vector_subcore>, window_params = [{transform_indices = #map}, {transform_indices = #map1}, {transform_indices = #map1}, {transform_indices = #map1}]} {
    %mul3A = arith.constant 16 : i32
    %mul3A_0 = arith.muli %arg0, %mul3A : i32
    %add3A = arith.addi %mul3A_0, %arg1 : i32
    "tpu.region"() ({
      %run_scoped3A = tpu.sem_alloc : memref<!tpu.dma_semaphore, #tpu.memory_space<semaphore_mem>>
      tpu.enqueue_dma source(%arg4 : memref<128x128xf32, #tpu.memory_space<hbm>>) target(%arg7 : memref<128x128xf32, #tpu.memory_space<vmem>>) target_semaphore(%run_scoped3A : memref<!tpu.dma_semaphore, #tpu.memory_space<semaphore_mem>>)
      tpu.wait_dma2 semaphore(%run_scoped3A : memref<!tpu.dma_semaphore, #tpu.memory_space<semaphore_mem>>) src(%arg4 : memref<128x128xf32, #tpu.memory_space<hbm>>) dst(%arg7 : memref<128x128xf32, #tpu.memory_space<vmem>>)
      tpu.yield
    }) : () -> ()
    %mul3A_1 = arith.constant 640 : i32
    %mul3A_2 = arith.muli %arg1, %mul3A_1 : i32
    %mul3A_3 = arith.constant 640 : i32
    %mul3A_4 = arith.muli %arg1, %mul3A_3 : i32
    "tpu.region"() ({
      %run_scoped3A = tpu.sem_alloc : memref<!tpu.dma_semaphore, #tpu.memory_space<semaphore_mem>>
      %dma_start3A = arith.constant 0 : i32
      %dma_start3A_20 = tpu.memref_slice %arg8[%mul3A_4, %dma_start3A] : memref<10240x128xf32, #tpu.memory_space<vmem_shared>> -> memref<640x128xf32, #tpu.memory_space<vmem_shared>>
      %dma_start3A_21 = arith.constant 0 : i32
      %dma_start3A_22 = tpu.memref_slice %arg3[%mul3A_2, %dma_start3A_21] : memref<10240x128xf32, #tpu.memory_space<hbm>> -> memref<640x128xf32, #tpu.memory_space<hbm>>
      tpu.enqueue_dma source(%dma_start3A_22 : memref<640x128xf32, #tpu.memory_space<hbm>>) target(%dma_start3A_20 : memref<640x128xf32, #tpu.memory_space<vmem_shared>>) target_semaphore(%run_scoped3A : memref<!tpu.dma_semaphore, #tpu.memory_space<semaphore_mem>>)
      %dma_wait3A = arith.constant 0 : i32
      %dma_wait3A_23 = tpu.memref_slice %arg8[%mul3A_4, %dma_wait3A] : memref<10240x128xf32, #tpu.memory_space<vmem_shared>> -> memref<640x128xf32, #tpu.memory_space<vmem_shared>>
      %dma_wait3A_24 = arith.constant 0 : i32
      %dma_wait3A_25 = tpu.memref_slice %arg3[%mul3A_2, %dma_wait3A_24] : memref<10240x128xf32, #tpu.memory_space<hbm>> -> memref<640x128xf32, #tpu.memory_space<hbm>>
      tpu.wait_dma2 semaphore(%run_scoped3A : memref<!tpu.dma_semaphore, #tpu.memory_space<semaphore_mem>>) src(%dma_wait3A_25 : memref<640x128xf32, #tpu.memory_space<hbm>>) dst(%dma_wait3A_23 : memref<640x128xf32, #tpu.memory_space<vmem_shared>>)
      tpu.yield
    }) : () -> ()
    %barrier3A = arith.constant 0 : index
    tpu.barrier barrier_id(%barrier3A)
    %mul3A_5 = arith.constant 10112 : i32
    %mul3A_6 = arith.muli %add3A, %mul3A_5 : i32
    %scan3A = arith.constant 0 : i32
    %scan3A_7 = arith.constant 0 : i32
    %scan3A_8 = arith.constant 79 : i32
    %scan3A_9 = arith.addi %scan3A_7, %scan3A_8 : i32
    %scan3A_10 = arith.constant 1 : i32
    scf.for %scan3A_20 = %scan3A_7 to %scan3A_9 step %scan3A_10  : i32 {
      %mul3A_21 = arith.constant 128 : i32
      %mul3A_22 = arith.muli %scan3A_20, %mul3A_21 : i32
      %add3A_23 = arith.addi %mul3A_6, %mul3A_22 : i32
      "tpu.region"() ({
        %run_scoped3A = tpu.sem_alloc : memref<!tpu.dma_semaphore, #tpu.memory_space<semaphore_mem>>
        %dma_start3A = tpu.memref_slice %arg2[%add3A_23] : memref<323584xi32, #tpu.memory_space<hbm>> -> memref<128xi32, #tpu.memory_space<hbm>>
        %dma_start3A_24 = tpu.memref_slice %arg2[%add3A_23] : memref<323584xi32, #tpu.memory_space<hbm>> -> memref<128xi32, #tpu.memory_space<hbm>>
        tpu.enqueue_dma source(%dma_start3A_24 : memref<128xi32, #tpu.memory_space<hbm>>) target(%arg6 : memref<128xi32, #tpu.memory_space<vmem>>) target_semaphore(%run_scoped3A : memref<!tpu.dma_semaphore, #tpu.memory_space<semaphore_mem>>)
        %dma_wait3A = tpu.memref_slice %arg2[%add3A_23] : memref<323584xi32, #tpu.memory_space<hbm>> -> memref<128xi32, #tpu.memory_space<hbm>>
        %dma_wait3A_25 = tpu.memref_slice %arg2[%add3A_23] : memref<323584xi32, #tpu.memory_space<hbm>> -> memref<128xi32, #tpu.memory_space<hbm>>
        tpu.wait_dma2 semaphore(%run_scoped3A : memref<!tpu.dma_semaphore, #tpu.memory_space<semaphore_mem>>) src(%dma_wait3A_25 : memref<128xi32, #tpu.memory_space<hbm>>) dst(%arg6 : memref<128xi32, #tpu.memory_space<vmem>>)
        tpu.yield
      }) : () -> ()
      "tpu.region"() ({
        %run_scoped3A = tpu.sem_alloc : memref<!tpu.dma_semaphore, #tpu.memory_space<semaphore_mem>>
        %dma_start3A = arith.constant 0 : i32
        %dma_start3A_24 = arith.constant 0 : i32
        %dma_start3A_25 = tpu.memref_slice %arg8[%dma_start3A, %dma_start3A_24] : memref<10240x128xf32, #tpu.memory_space<vmem_shared>> -> memref<10240x128xf32, #tpu.memory_space<vmem_shared>>
        tpu.enqueue_indirect_dma source(%arg7 : memref<128x128xf32, #tpu.memory_space<vmem>>) target(%dma_start3A_25 : memref<10240x128xf32, #tpu.memory_space<vmem_shared>>) offsets(%arg6 : memref<128xi32, #tpu.memory_space<vmem>>) semaphore(%run_scoped3A : memref<!tpu.dma_semaphore, #tpu.memory_space<semaphore_mem>>) {add = true}
        %dma_wait3A = arith.constant 0 : i32
        %dma_wait3A_26 = arith.constant 0 : i32
        %dma_wait3A_27 = tpu.memref_slice %arg8[%dma_wait3A, %dma_wait3A_26] : memref<10240x128xf32, #tpu.memory_space<vmem_shared>> -> memref<10240x128xf32, #tpu.memory_space<vmem_shared>>
        tpu.wait_indirect_dma semaphore(%run_scoped3A : memref<!tpu.dma_semaphore, #tpu.memory_space<semaphore_mem>>) src(%arg7 : memref<128x128xf32, #tpu.memory_space<vmem>>) dst(%dma_wait3A_27 : memref<10240x128xf32, #tpu.memory_space<vmem_shared>>)
        tpu.yield
      }) : () -> ()
    }
    %scan3A_11 = arith.constant 79 : i32
    %barrier3A_12 = arith.constant 0 : index
    tpu.barrier barrier_id(%barrier3A_12)
    %mul3A_13 = arith.constant 640 : i32
    %mul3A_14 = arith.muli %arg1, %mul3A_13 : i32
    %mul3A_15 = arith.constant 10240 : i32
    %mul3A_16 = arith.muli %arg0, %mul3A_15 : i32
    %mul3A_17 = arith.constant 640 : i32
    %mul3A_18 = arith.muli %arg1, %mul3A_17 : i32
    %add3A_19 = arith.addi %mul3A_16, %mul3A_18 : i32
    "tpu.region"() ({
      %run_scoped3A = tpu.sem_alloc : memref<!tpu.dma_semaphore, #tpu.memory_space<semaphore_mem>>
      %dma_start3A = arith.constant 0 : i32
      %dma_start3A_20 = tpu.memref_slice %arg5[%add3A_19, %dma_start3A] : memref<20480x128xf32, #tpu.memory_space<hbm>> -> memref<640x128xf32, #tpu.memory_space<hbm>>
      %dma_start3A_21 = arith.constant 0 : i32
      %dma_start3A_22 = tpu.memref_slice %arg8[%mul3A_14, %dma_start3A_21] : memref<10240x128xf32, #tpu.memory_space<vmem_shared>> -> memref<640x128xf32, #tpu.memory_space<vmem_shared>>
      tpu.enqueue_dma source(%dma_start3A_22 : memref<640x128xf32, #tpu.memory_space<vmem_shared>>) target(%dma_start3A_20 : memref<640x128xf32, #tpu.memory_space<hbm>>) target_semaphore(%run_scoped3A : memref<!tpu.dma_semaphore, #tpu.memory_space<semaphore_mem>>)
      %dma_wait3A = arith.constant 0 : i32
      %dma_wait3A_23 = tpu.memref_slice %arg5[%add3A_19, %dma_wait3A] : memref<20480x128xf32, #tpu.memory_space<hbm>> -> memref<640x128xf32, #tpu.memory_space<hbm>>
      %dma_wait3A_24 = arith.constant 0 : i32
      %dma_wait3A_25 = tpu.memref_slice %arg8[%mul3A_14, %dma_wait3A_24] : memref<10240x128xf32, #tpu.memory_space<vmem_shared>> -> memref<640x128xf32, #tpu.memory_space<vmem_shared>>
      tpu.wait_dma2 semaphore(%run_scoped3A : memref<!tpu.dma_semaphore, #tpu.memory_space<semaphore_mem>>) src(%dma_wait3A_25 : memref<640x128xf32, #tpu.memory_space<vmem_shared>>) dst(%dma_wait3A_23 : memref<640x128xf32, #tpu.memory_space<hbm>>)
      tpu.yield
    }) : () -> ()
    return
  }
}

#map = affine_map<(d0, d1) -> (0, 0)>
#map1 = affine_map<(d0, d1) -> (0)>
module attributes {stable_mosaic.version = 14 : i64} {
  func.func @scat_kernel(%arg0: i32, %arg1: i32, %arg2: memref<10000x128xf32, #tpu.memory_space<hbm>>, %arg3: memref<323584xi32, #tpu.memory_space<hbm>>, %arg4: memref<323584xi32, #tpu.memory_space<hbm>>, %arg5: memref<10240x128xf32, #tpu.memory_space<hbm>>, %arg6: memref<20480x128xf32, #tpu.memory_space<hbm>>, %arg7: memref<128xi32, #tpu.memory_space<vmem>>, %arg8: memref<128xi32, #tpu.memory_space<vmem>>, %arg9: memref<128x128xf32, #tpu.memory_space<vmem>>, %arg10: memref<10240x128xf32, #tpu.memory_space<vmem_shared>>, %arg11: memref<!tpu.dma_semaphore, #tpu.memory_space<semaphore_mem>>) attributes {dimension_semantics = [#tpu.dimension_semantics<core_parallel>, #tpu.dimension_semantics<subcore_parallel>], iteration_bounds = array<i64: 2, 16>, scalar_prefetch = 0 : i64, scratch_operands = 5 : i64, tpu.core_type = #tpu.core_type<sc_vector_subcore>, window_params = [{transform_indices = #map}, {transform_indices = #map1}, {transform_indices = #map1}, {transform_indices = #map}, {transform_indices = #map}]} {
    %mul3A = arith.constant 16 : i32
    %mul3A_0 = arith.muli %arg0, %mul3A : i32
    %add3A = arith.addi %mul3A_0, %arg1 : i32
    %mul3A_1 = arith.constant 10112 : i32
    %mul3A_2 = arith.muli %add3A, %mul3A_1 : i32
    %mul3A_3 = arith.constant 640 : i32
    %mul3A_4 = arith.muli %arg1, %mul3A_3 : i32
    %mul3A_5 = arith.constant 640 : i32
    %mul3A_6 = arith.muli %arg1, %mul3A_5 : i32
    "tpu.region"() ({
      %run_scoped3A = tpu.sem_alloc : memref<!tpu.dma_semaphore, #tpu.memory_space<semaphore_mem>>
      %dma_start3A = arith.constant 0 : i32
      %dma_start3A_20 = tpu.memref_slice %arg10[%mul3A_6, %dma_start3A] : memref<10240x128xf32, #tpu.memory_space<vmem_shared>> -> memref<640x128xf32, #tpu.memory_space<vmem_shared>>
      %dma_start3A_21 = arith.constant 0 : i32
      %dma_start3A_22 = tpu.memref_slice %arg5[%mul3A_4, %dma_start3A_21] : memref<10240x128xf32, #tpu.memory_space<hbm>> -> memref<640x128xf32, #tpu.memory_space<hbm>>
      tpu.enqueue_dma source(%dma_start3A_22 : memref<640x128xf32, #tpu.memory_space<hbm>>) target(%dma_start3A_20 : memref<640x128xf32, #tpu.memory_space<vmem_shared>>) target_semaphore(%run_scoped3A : memref<!tpu.dma_semaphore, #tpu.memory_space<semaphore_mem>>)
      %dma_wait3A = arith.constant 0 : i32
      %dma_wait3A_23 = tpu.memref_slice %arg10[%mul3A_6, %dma_wait3A] : memref<10240x128xf32, #tpu.memory_space<vmem_shared>> -> memref<640x128xf32, #tpu.memory_space<vmem_shared>>
      %dma_wait3A_24 = arith.constant 0 : i32
      %dma_wait3A_25 = tpu.memref_slice %arg5[%mul3A_4, %dma_wait3A_24] : memref<10240x128xf32, #tpu.memory_space<hbm>> -> memref<640x128xf32, #tpu.memory_space<hbm>>
      tpu.wait_dma2 semaphore(%run_scoped3A : memref<!tpu.dma_semaphore, #tpu.memory_space<semaphore_mem>>) src(%dma_wait3A_25 : memref<640x128xf32, #tpu.memory_space<hbm>>) dst(%dma_wait3A_23 : memref<640x128xf32, #tpu.memory_space<vmem_shared>>)
      tpu.yield
    }) : () -> ()
    %barrier3A = arith.constant 0 : index
    tpu.barrier barrier_id(%barrier3A)
    %scan3A = arith.constant 0 : i32
    %scan3A_7 = arith.constant 0 : i32
    %scan3A_8 = arith.constant 79 : i32
    %scan3A_9 = arith.addi %scan3A_7, %scan3A_8 : i32
    %scan3A_10 = arith.constant 1 : i32
    scf.for %scan3A_20 = %scan3A_7 to %scan3A_9 step %scan3A_10  : i32 {
      %mul3A_21 = arith.constant 128 : i32
      %mul3A_22 = arith.muli %scan3A_20, %mul3A_21 : i32
      %add3A_23 = arith.addi %mul3A_2, %mul3A_22 : i32
      "tpu.region"() ({
        %run_scoped3A = tpu.sem_alloc : memref<!tpu.dma_semaphore, #tpu.memory_space<semaphore_mem>>
        %dma_start3A_28 = tpu.memref_slice %arg3[%add3A_23] : memref<323584xi32, #tpu.memory_space<hbm>> -> memref<128xi32, #tpu.memory_space<hbm>>
        %dma_start3A_29 = tpu.memref_slice %arg3[%add3A_23] : memref<323584xi32, #tpu.memory_space<hbm>> -> memref<128xi32, #tpu.memory_space<hbm>>
        tpu.enqueue_dma source(%dma_start3A_29 : memref<128xi32, #tpu.memory_space<hbm>>) target(%arg7 : memref<128xi32, #tpu.memory_space<vmem>>) target_semaphore(%run_scoped3A : memref<!tpu.dma_semaphore, #tpu.memory_space<semaphore_mem>>)
        %dma_wait3A_30 = tpu.memref_slice %arg3[%add3A_23] : memref<323584xi32, #tpu.memory_space<hbm>> -> memref<128xi32, #tpu.memory_space<hbm>>
        %dma_wait3A_31 = tpu.memref_slice %arg3[%add3A_23] : memref<323584xi32, #tpu.memory_space<hbm>> -> memref<128xi32, #tpu.memory_space<hbm>>
        tpu.wait_dma2 semaphore(%run_scoped3A : memref<!tpu.dma_semaphore, #tpu.memory_space<semaphore_mem>>) src(%dma_wait3A_31 : memref<128xi32, #tpu.memory_space<hbm>>) dst(%arg7 : memref<128xi32, #tpu.memory_space<vmem>>)
        tpu.yield
      }) : () -> ()
      "tpu.region"() ({
        %run_scoped3A = tpu.sem_alloc : memref<!tpu.dma_semaphore, #tpu.memory_space<semaphore_mem>>
        %dma_start3A_28 = tpu.memref_slice %arg4[%add3A_23] : memref<323584xi32, #tpu.memory_space<hbm>> -> memref<128xi32, #tpu.memory_space<hbm>>
        %dma_start3A_29 = tpu.memref_slice %arg4[%add3A_23] : memref<323584xi32, #tpu.memory_space<hbm>> -> memref<128xi32, #tpu.memory_space<hbm>>
        tpu.enqueue_dma source(%dma_start3A_29 : memref<128xi32, #tpu.memory_space<hbm>>) target(%arg8 : memref<128xi32, #tpu.memory_space<vmem>>) target_semaphore(%run_scoped3A : memref<!tpu.dma_semaphore, #tpu.memory_space<semaphore_mem>>)
        %dma_wait3A_30 = tpu.memref_slice %arg4[%add3A_23] : memref<323584xi32, #tpu.memory_space<hbm>> -> memref<128xi32, #tpu.memory_space<hbm>>
        %dma_wait3A_31 = tpu.memref_slice %arg4[%add3A_23] : memref<323584xi32, #tpu.memory_space<hbm>> -> memref<128xi32, #tpu.memory_space<hbm>>
        tpu.wait_dma2 semaphore(%run_scoped3A : memref<!tpu.dma_semaphore, #tpu.memory_space<semaphore_mem>>) src(%dma_wait3A_31 : memref<128xi32, #tpu.memory_space<hbm>>) dst(%arg8 : memref<128xi32, #tpu.memory_space<vmem>>)
        tpu.yield
      }) : () -> ()
      %dma_start3A = arith.constant 0 : i32
      %dma_start3A_24 = arith.constant 0 : i32
      %dma_start3A_25 = tpu.memref_slice %arg2[%dma_start3A, %dma_start3A_24] : memref<10000x128xf32, #tpu.memory_space<hbm>> -> memref<10000x128xf32, #tpu.memory_space<hbm>>
      tpu.enqueue_indirect_dma source(%dma_start3A_25 : memref<10000x128xf32, #tpu.memory_space<hbm>>) target(%arg9 : memref<128x128xf32, #tpu.memory_space<vmem>>) offsets(%arg7 : memref<128xi32, #tpu.memory_space<vmem>>) semaphore(%arg11 : memref<!tpu.dma_semaphore, #tpu.memory_space<semaphore_mem>>)
      %dma_wait3A = arith.constant 0 : i32
      %dma_wait3A_26 = arith.constant 0 : i32
      %dma_wait3A_27 = tpu.memref_slice %arg2[%dma_wait3A, %dma_wait3A_26] : memref<10000x128xf32, #tpu.memory_space<hbm>> -> memref<10000x128xf32, #tpu.memory_space<hbm>>
      tpu.wait_indirect_dma semaphore(%arg11 : memref<!tpu.dma_semaphore, #tpu.memory_space<semaphore_mem>>) src(%dma_wait3A_27 : memref<10000x128xf32, #tpu.memory_space<hbm>>) dst(%arg9 : memref<128x128xf32, #tpu.memory_space<vmem>>)
      "tpu.region"() ({
        %run_scoped3A = tpu.sem_alloc : memref<!tpu.dma_semaphore, #tpu.memory_space<semaphore_mem>>
        %dma_start3A_28 = arith.constant 0 : i32
        %dma_start3A_29 = arith.constant 0 : i32
        %dma_start3A_30 = tpu.memref_slice %arg10[%dma_start3A_28, %dma_start3A_29] : memref<10240x128xf32, #tpu.memory_space<vmem_shared>> -> memref<10240x128xf32, #tpu.memory_space<vmem_shared>>
        tpu.enqueue_indirect_dma source(%arg9 : memref<128x128xf32, #tpu.memory_space<vmem>>) target(%dma_start3A_30 : memref<10240x128xf32, #tpu.memory_space<vmem_shared>>) offsets(%arg8 : memref<128xi32, #tpu.memory_space<vmem>>) semaphore(%run_scoped3A : memref<!tpu.dma_semaphore, #tpu.memory_space<semaphore_mem>>) {add = true}
        %dma_wait3A_31 = arith.constant 0 : i32
        %dma_wait3A_32 = arith.constant 0 : i32
        %dma_wait3A_33 = tpu.memref_slice %arg10[%dma_wait3A_31, %dma_wait3A_32] : memref<10240x128xf32, #tpu.memory_space<vmem_shared>> -> memref<10240x128xf32, #tpu.memory_space<vmem_shared>>
        tpu.wait_indirect_dma semaphore(%run_scoped3A : memref<!tpu.dma_semaphore, #tpu.memory_space<semaphore_mem>>) src(%arg9 : memref<128x128xf32, #tpu.memory_space<vmem>>) dst(%dma_wait3A_33 : memref<10240x128xf32, #tpu.memory_space<vmem_shared>>)
        tpu.yield
      }) : () -> ()
    }
    %scan3A_11 = arith.constant 79 : i32
    %barrier3A_12 = arith.constant 0 : index
    tpu.barrier barrier_id(%barrier3A_12)
    %mul3A_13 = arith.constant 640 : i32
    %mul3A_14 = arith.muli %arg1, %mul3A_13 : i32
    %mul3A_15 = arith.constant 10240 : i32
    %mul3A_16 = arith.muli %arg0, %mul3A_15 : i32
    %mul3A_17 = arith.constant 640 : i32
    %mul3A_18 = arith.muli %arg1, %mul3A_17 : i32
    %add3A_19 = arith.addi %mul3A_16, %mul3A_18 : i32
    "tpu.region"() ({
      %run_scoped3A = tpu.sem_alloc : memref<!tpu.dma_semaphore, #tpu.memory_space<semaphore_mem>>
      %dma_start3A = arith.constant 0 : i32
      %dma_start3A_20 = tpu.memref_slice %arg6[%add3A_19, %dma_start3A] : memref<20480x128xf32, #tpu.memory_space<hbm>> -> memref<640x128xf32, #tpu.memory_space<hbm>>
      %dma_start3A_21 = arith.constant 0 : i32
      %dma_start3A_22 = tpu.memref_slice %arg10[%mul3A_14, %dma_start3A_21] : memref<10240x128xf32, #tpu.memory_space<vmem_shared>> -> memref<640x128xf32, #tpu.memory_space<vmem_shared>>
      tpu.enqueue_dma source(%dma_start3A_22 : memref<640x128xf32, #tpu.memory_space<vmem_shared>>) target(%dma_start3A_20 : memref<640x128xf32, #tpu.memory_space<hbm>>) target_semaphore(%run_scoped3A : memref<!tpu.dma_semaphore, #tpu.memory_space<semaphore_mem>>)
      %dma_wait3A = arith.constant 0 : i32
      %dma_wait3A_23 = tpu.memref_slice %arg6[%add3A_19, %dma_wait3A] : memref<20480x128xf32, #tpu.memory_space<hbm>> -> memref<640x128xf32, #tpu.memory_space<hbm>>
      %dma_wait3A_24 = arith.constant 0 : i32
      %dma_wait3A_25 = tpu.memref_slice %arg10[%mul3A_14, %dma_wait3A_24] : memref<10240x128xf32, #tpu.memory_space<vmem_shared>> -> memref<640x128xf32, #tpu.memory_space<vmem_shared>>
      tpu.wait_dma2 semaphore(%run_scoped3A : memref<!tpu.dma_semaphore, #tpu.memory_space<semaphore_mem>>) src(%dma_wait3A_25 : memref<640x128xf32, #tpu.memory_space<vmem_shared>>) dst(%dma_wait3A_23 : memref<640x128xf32, #tpu.memory_space<hbm>>)
      tpu.yield
    }) : () -> ()
    return
  }
}

#map = affine_map<(d0, d1) -> (0, 0)>
#map1 = affine_map<(d0, d1) -> (0)>
module attributes {stable_mosaic.version = 14 : i64} {
  func.func @scat_kernel(%arg0: i32, %arg1: i32, %arg2: memref<10000x128xf32, #tpu.memory_space<hbm>>, %arg3: memref<323584xi32, #tpu.memory_space<hbm>>, %arg4: memref<323584xi32, #tpu.memory_space<hbm>>, %arg5: memref<10240x128xf32, #tpu.memory_space<hbm>>, %arg6: memref<20480x128xf32, #tpu.memory_space<hbm>>, %arg7: memref<128xi32, #tpu.memory_space<vmem>>, %arg8: memref<128xi32, #tpu.memory_space<vmem>>, %arg9: memref<128x128xf32, #tpu.memory_space<vmem>>, %arg10: memref<10240x128xf32, #tpu.memory_space<vmem_shared>>, %arg11: memref<!tpu.dma_semaphore, #tpu.memory_space<semaphore_mem>>) attributes {dimension_semantics = [#tpu.dimension_semantics<core_parallel>, #tpu.dimension_semantics<subcore_parallel>], iteration_bounds = array<i64: 2, 16>, scalar_prefetch = 0 : i64, scratch_operands = 5 : i64, tpu.core_type = #tpu.core_type<sc_vector_subcore>, window_params = [{transform_indices = #map}, {transform_indices = #map1}, {transform_indices = #map1}, {transform_indices = #map}, {transform_indices = #map}]} {
    %mul3A = arith.constant 16 : i32
    %mul3A_0 = arith.muli %arg0, %mul3A : i32
    %add3A = arith.addi %mul3A_0, %arg1 : i32
    %mul3A_1 = arith.constant 10112 : i32
    %mul3A_2 = arith.muli %add3A, %mul3A_1 : i32
    %mul3A_3 = arith.constant 640 : i32
    %mul3A_4 = arith.muli %arg1, %mul3A_3 : i32
    %mul3A_5 = arith.constant 640 : i32
    %mul3A_6 = arith.muli %arg1, %mul3A_5 : i32
    "tpu.region"() ({
      %run_scoped3A = tpu.sem_alloc : memref<!tpu.dma_semaphore, #tpu.memory_space<semaphore_mem>>
      %dma_start3A = arith.constant 0 : i32
      %dma_start3A_20 = tpu.memref_slice %arg10[%mul3A_6, %dma_start3A] : memref<10240x128xf32, #tpu.memory_space<vmem_shared>> -> memref<640x128xf32, #tpu.memory_space<vmem_shared>>
      %dma_start3A_21 = arith.constant 0 : i32
      %dma_start3A_22 = tpu.memref_slice %arg5[%mul3A_4, %dma_start3A_21] : memref<10240x128xf32, #tpu.memory_space<hbm>> -> memref<640x128xf32, #tpu.memory_space<hbm>>
      tpu.enqueue_dma source(%dma_start3A_22 : memref<640x128xf32, #tpu.memory_space<hbm>>) target(%dma_start3A_20 : memref<640x128xf32, #tpu.memory_space<vmem_shared>>) target_semaphore(%run_scoped3A : memref<!tpu.dma_semaphore, #tpu.memory_space<semaphore_mem>>)
      %dma_wait3A = arith.constant 0 : i32
      %dma_wait3A_23 = tpu.memref_slice %arg10[%mul3A_6, %dma_wait3A] : memref<10240x128xf32, #tpu.memory_space<vmem_shared>> -> memref<640x128xf32, #tpu.memory_space<vmem_shared>>
      %dma_wait3A_24 = arith.constant 0 : i32
      %dma_wait3A_25 = tpu.memref_slice %arg5[%mul3A_4, %dma_wait3A_24] : memref<10240x128xf32, #tpu.memory_space<hbm>> -> memref<640x128xf32, #tpu.memory_space<hbm>>
      tpu.wait_dma2 semaphore(%run_scoped3A : memref<!tpu.dma_semaphore, #tpu.memory_space<semaphore_mem>>) src(%dma_wait3A_25 : memref<640x128xf32, #tpu.memory_space<hbm>>) dst(%dma_wait3A_23 : memref<640x128xf32, #tpu.memory_space<vmem_shared>>)
      tpu.yield
    }) : () -> ()
    %barrier3A = arith.constant 0 : index
    tpu.barrier barrier_id(%barrier3A)
    %scan3A = arith.constant 0 : i32
    %scan3A_7 = arith.constant 0 : i32
    %scan3A_8 = arith.constant 79 : i32
    %scan3A_9 = arith.addi %scan3A_7, %scan3A_8 : i32
    %scan3A_10 = arith.constant 1 : i32
    scf.for %scan3A_20 = %scan3A_7 to %scan3A_9 step %scan3A_10  : i32 {
      %mul3A_21 = arith.constant 128 : i32
      %mul3A_22 = arith.muli %scan3A_20, %mul3A_21 : i32
      %add3A_23 = arith.addi %mul3A_2, %mul3A_22 : i32
      "tpu.region"() ({
        %run_scoped3A = tpu.sem_alloc : memref<!tpu.dma_semaphore, #tpu.memory_space<semaphore_mem>>
        %dma_start3A_28 = tpu.memref_slice %arg3[%add3A_23] : memref<323584xi32, #tpu.memory_space<hbm>> -> memref<128xi32, #tpu.memory_space<hbm>>
        %dma_start3A_29 = tpu.memref_slice %arg3[%add3A_23] : memref<323584xi32, #tpu.memory_space<hbm>> -> memref<128xi32, #tpu.memory_space<hbm>>
        tpu.enqueue_dma source(%dma_start3A_29 : memref<128xi32, #tpu.memory_space<hbm>>) target(%arg7 : memref<128xi32, #tpu.memory_space<vmem>>) target_semaphore(%run_scoped3A : memref<!tpu.dma_semaphore, #tpu.memory_space<semaphore_mem>>)
        %dma_wait3A_30 = tpu.memref_slice %arg3[%add3A_23] : memref<323584xi32, #tpu.memory_space<hbm>> -> memref<128xi32, #tpu.memory_space<hbm>>
        %dma_wait3A_31 = tpu.memref_slice %arg3[%add3A_23] : memref<323584xi32, #tpu.memory_space<hbm>> -> memref<128xi32, #tpu.memory_space<hbm>>
        tpu.wait_dma2 semaphore(%run_scoped3A : memref<!tpu.dma_semaphore, #tpu.memory_space<semaphore_mem>>) src(%dma_wait3A_31 : memref<128xi32, #tpu.memory_space<hbm>>) dst(%arg7 : memref<128xi32, #tpu.memory_space<vmem>>)
        tpu.yield
      }) : () -> ()
      "tpu.region"() ({
        %run_scoped3A = tpu.sem_alloc : memref<!tpu.dma_semaphore, #tpu.memory_space<semaphore_mem>>
        %dma_start3A_28 = tpu.memref_slice %arg4[%add3A_23] : memref<323584xi32, #tpu.memory_space<hbm>> -> memref<128xi32, #tpu.memory_space<hbm>>
        %dma_start3A_29 = tpu.memref_slice %arg4[%add3A_23] : memref<323584xi32, #tpu.memory_space<hbm>> -> memref<128xi32, #tpu.memory_space<hbm>>
        tpu.enqueue_dma source(%dma_start3A_29 : memref<128xi32, #tpu.memory_space<hbm>>) target(%arg8 : memref<128xi32, #tpu.memory_space<vmem>>) target_semaphore(%run_scoped3A : memref<!tpu.dma_semaphore, #tpu.memory_space<semaphore_mem>>)
        %dma_wait3A_30 = tpu.memref_slice %arg4[%add3A_23] : memref<323584xi32, #tpu.memory_space<hbm>> -> memref<128xi32, #tpu.memory_space<hbm>>
        %dma_wait3A_31 = tpu.memref_slice %arg4[%add3A_23] : memref<323584xi32, #tpu.memory_space<hbm>> -> memref<128xi32, #tpu.memory_space<hbm>>
        tpu.wait_dma2 semaphore(%run_scoped3A : memref<!tpu.dma_semaphore, #tpu.memory_space<semaphore_mem>>) src(%dma_wait3A_31 : memref<128xi32, #tpu.memory_space<hbm>>) dst(%arg8 : memref<128xi32, #tpu.memory_space<vmem>>)
        tpu.yield
      }) : () -> ()
      %dma_start3A = arith.constant 0 : i32
      %dma_start3A_24 = arith.constant 0 : i32
      %dma_start3A_25 = tpu.memref_slice %arg2[%dma_start3A, %dma_start3A_24] : memref<10000x128xf32, #tpu.memory_space<hbm>> -> memref<10000x128xf32, #tpu.memory_space<hbm>>
      tpu.enqueue_indirect_dma source(%dma_start3A_25 : memref<10000x128xf32, #tpu.memory_space<hbm>>) target(%arg9 : memref<128x128xf32, #tpu.memory_space<vmem>>) offsets(%arg7 : memref<128xi32, #tpu.memory_space<vmem>>) semaphore(%arg11 : memref<!tpu.dma_semaphore, #tpu.memory_space<semaphore_mem>>)
      %dma_wait3A = arith.constant 0 : i32
      %dma_wait3A_26 = arith.constant 0 : i32
      %dma_wait3A_27 = tpu.memref_slice %arg2[%dma_wait3A, %dma_wait3A_26] : memref<10000x128xf32, #tpu.memory_space<hbm>> -> memref<10000x128xf32, #tpu.memory_space<hbm>>
      tpu.wait_indirect_dma semaphore(%arg11 : memref<!tpu.dma_semaphore, #tpu.memory_space<semaphore_mem>>) src(%dma_wait3A_27 : memref<10000x128xf32, #tpu.memory_space<hbm>>) dst(%arg9 : memref<128x128xf32, #tpu.memory_space<vmem>>)
      "tpu.region"() ({
        %run_scoped3A = tpu.sem_alloc : memref<!tpu.dma_semaphore, #tpu.memory_space<semaphore_mem>>
        %dma_start3A_28 = arith.constant 0 : i32
        %dma_start3A_29 = arith.constant 0 : i32
        %dma_start3A_30 = tpu.memref_slice %arg10[%dma_start3A_28, %dma_start3A_29] : memref<10240x128xf32, #tpu.memory_space<vmem_shared>> -> memref<10240x128xf32, #tpu.memory_space<vmem_shared>>
        tpu.enqueue_indirect_dma source(%arg9 : memref<128x128xf32, #tpu.memory_space<vmem>>) target(%dma_start3A_30 : memref<10240x128xf32, #tpu.memory_space<vmem_shared>>) offsets(%arg8 : memref<128xi32, #tpu.memory_space<vmem>>) semaphore(%run_scoped3A : memref<!tpu.dma_semaphore, #tpu.memory_space<semaphore_mem>>) {add = true}
        %dma_wait3A_31 = arith.constant 0 : i32
        %dma_wait3A_32 = arith.constant 0 : i32
        %dma_wait3A_33 = tpu.memref_slice %arg10[%dma_wait3A_31, %dma_wait3A_32] : memref<10240x128xf32, #tpu.memory_space<vmem_shared>> -> memref<10240x128xf32, #tpu.memory_space<vmem_shared>>
        tpu.wait_indirect_dma semaphore(%run_scoped3A : memref<!tpu.dma_semaphore, #tpu.memory_space<semaphore_mem>>) src(%arg9 : memref<128x128xf32, #tpu.memory_space<vmem>>) dst(%dma_wait3A_33 : memref<10240x128xf32, #tpu.memory_space<vmem_shared>>)
        tpu.yield
      }) : () -> ()
    }
    %scan3A_11 = arith.constant 79 : i32
    %barrier3A_12 = arith.constant 0 : index
    tpu.barrier barrier_id(%barrier3A_12)
    %mul3A_13 = arith.constant 640 : i32
    %mul3A_14 = arith.muli %arg1, %mul3A_13 : i32
    %mul3A_15 = arith.constant 10240 : i32
    %mul3A_16 = arith.muli %arg0, %mul3A_15 : i32
    %mul3A_17 = arith.constant 640 : i32
    %mul3A_18 = arith.muli %arg1, %mul3A_17 : i32
    %add3A_19 = arith.addi %mul3A_16, %mul3A_18 : i32
    "tpu.region"() ({
      %run_scoped3A = tpu.sem_alloc : memref<!tpu.dma_semaphore, #tpu.memory_space<semaphore_mem>>
      %dma_start3A = arith.constant 0 : i32
      %dma_start3A_20 = tpu.memref_slice %arg6[%add3A_19, %dma_start3A] : memref<20480x128xf32, #tpu.memory_space<hbm>> -> memref<640x128xf32, #tpu.memory_space<hbm>>
      %dma_start3A_21 = arith.constant 0 : i32
      %dma_start3A_22 = tpu.memref_slice %arg10[%mul3A_14, %dma_start3A_21] : memref<10240x128xf32, #tpu.memory_space<vmem_shared>> -> memref<640x128xf32, #tpu.memory_space<vmem_shared>>
      tpu.enqueue_dma source(%dma_start3A_22 : memref<640x128xf32, #tpu.memory_space<vmem_shared>>) target(%dma_start3A_20 : memref<640x128xf32, #tpu.memory_space<hbm>>) target_semaphore(%run_scoped3A : memref<!tpu.dma_semaphore, #tpu.memory_space<semaphore_mem>>)
      %dma_wait3A = arith.constant 0 : i32
      %dma_wait3A_23 = tpu.memref_slice %arg6[%add3A_19, %dma_wait3A] : memref<20480x128xf32, #tpu.memory_space<hbm>> -> memref<640x128xf32, #tpu.memory_space<hbm>>
      %dma_wait3A_24 = arith.constant 0 : i32
      %dma_wait3A_25 = tpu.memref_slice %arg10[%mul3A_14, %dma_wait3A_24] : memref<10240x128xf32, #tpu.memory_space<vmem_shared>> -> memref<640x128xf32, #tpu.memory_space<vmem_shared>>
      tpu.wait_dma2 semaphore(%run_scoped3A : memref<!tpu.dma_semaphore, #tpu.memory_space<semaphore_mem>>) src(%dma_wait3A_25 : memref<640x128xf32, #tpu.memory_space<vmem_shared>>) dst(%dma_wait3A_23 : memref<640x128xf32, #tpu.memory_space<hbm>>)
      tpu.yield
    }) : () -> ()
    return
  }
}

module attributes {stable_mosaic.version = 14 : i64} {
  func.func @_tc_pre_body(%arg0: i32, %arg1: memref<400x128xf32, #tpu.memory_space<vmem>>, %arg2: memref<128x128xf32, #tpu.memory_space<vmem>>, %arg3: memref<400x1xf32, #tpu.memory_space<vmem>>, %arg4: memref<400x128xf32, #tpu.memory_space<vmem>>) attributes {dimension_semantics = [#tpu.dimension_semantics<arbitrary>], iteration_bounds = array<i64: 25>, scalar_prefetch = 0 : i64, scratch_operands = 0 : i64, tpu.core_type = #tpu.core_type<tc>, window_params = [{transform_indices = @transform_0, window_bounds = array<i64: 400, 128>}, {pipeline_mode = #tpu.pipeline_mode<synchronous>, transform_indices = @transform_1, window_bounds = array<i64: 128, 128>}, {transform_indices = @transform_2, window_bounds = array<i64: 400, 1>}, {transform_indices = @transform_3, window_bounds = array<i64: 400, 128>}]} {
    %get3A = arith.constant 0 : index
    %get3A_0 = arith.constant 0 : index
    %get3A_1 = vector.load %arg1[%get3A, %get3A_0] : memref<400x128xf32, #tpu.memory_space<vmem>>, vector<400x128xf32>
    %get3A_2 = arith.constant 0 : index
    %get3A_3 = arith.constant 0 : index
    %get3A_4 = vector.load %arg2[%get3A_2, %get3A_3] : memref<128x128xf32, #tpu.memory_space<vmem>>, vector<128x128xf32>
    %dot_general3A = arith.constant dense<0.000000e+00> : vector<400x128xf32>
    %dot_general3A_5 = tpu.matmul %get3A_1, %get3A_4, %dot_general3A {dimension_numbers = #tpu.dot_dimension_numbers<[1], [0], [0], [1], [0, 0, 1, 1], [], []>, transpose_lhs_hint = false} : vector<400x128xf32>, vector<128x128xf32>, vector<400x128xf32> -> vector<400x128xf32>
    %get3A_6 = arith.constant 0 : index
    %get3A_7 = arith.constant 0 : index
    %get3A_8 = vector.load %arg3[%get3A_6, %get3A_7] : memref<400x1xf32, #tpu.memory_space<vmem>>, vector<400x1xf32>
    %gt3A = arith.constant 0.000000e+00 : f32
    %gt3A_9 = vector.broadcast %gt3A : f32 to vector<400x1xf32>
    %gt3A_10 = arith.cmpf ogt, %get3A_8, %gt3A_9 : vector<400x1xf32>
    %rsqrt3A = math.rsqrt %get3A_8 : vector<400x1xf32>
    %jit3A = arith.constant 0.000000e+00 : f32
    %broadcast_in_dim3A = vector.broadcast %jit3A : f32 to vector<400x1xf32>
    %select_n3A = arith.select %gt3A_10, %rsqrt3A, %broadcast_in_dim3A : vector<400x1xi1>, vector<400x1xf32>
    %mul3A = vector.broadcast %select_n3A : vector<400x1xf32> to vector<400x128xf32>
    %mul3A_11 = arith.mulf %dot_general3A_5, %mul3A : vector<400x128xf32>
    %swap3A = arith.constant 0 : index
    %swap3A_12 = arith.constant 0 : index
    %swap3A_13 = vector.load %arg4[%swap3A, %swap3A_12] : memref<400x128xf32, #tpu.memory_space<vmem>>, vector<400x128xf32>
    tpu.vector_store %arg4[%swap3A, %swap3A_12], %mul3A_11 {strides = array<i32>} : memref<400x128xf32, #tpu.memory_space<vmem>>, vector<400x128xf32>,
    return
  }
  func.func @transform_0(%arg0: i32) -> (i32, i32) {
    %c0_i32 = arith.constant 0 : i32
    %c0_i32_0 = arith.constant 0 : i32
    return %arg0, %c0_i32 : i32, i32
  }
  func.func @transform_1(%arg0: i32) -> (i32, i32) {
    %c0_i32 = arith.constant 0 : i32
    %c0_i32_0 = arith.constant 0 : i32
    %c0_i32_1 = arith.constant 0 : i32
    return %c0_i32, %c0_i32_0 : i32, i32
  }
  func.func @transform_2(%arg0: i32) -> (i32, i32) {
    %c0_i32 = arith.constant 0 : i32
    %c0_i32_0 = arith.constant 0 : i32
    return %arg0, %c0_i32 : i32, i32
  }
  func.func @transform_3(%arg0: i32) -> (i32, i32) {
    %c0_i32 = arith.constant 0 : i32
    %c0_i32_0 = arith.constant 0 : i32
    return %arg0, %c0_i32 : i32, i32
  }
}

module attributes {stable_mosaic.version = 14 : i64} {
  func.func @_tc_mid_body(%arg0: i32, %arg1: memref<400x128xf32, #tpu.memory_space<vmem>>, %arg2: memref<400x128xf32, #tpu.memory_space<vmem>>, %arg3: memref<400x128xf32, #tpu.memory_space<vmem>>, %arg4: memref<400x1xf32, #tpu.memory_space<vmem>>, %arg5: memref<1x128xf32, #tpu.memory_space<vmem>>, %arg6: memref<1x128xf32, #tpu.memory_space<vmem>>, %arg7: memref<1x128xf32, #tpu.memory_space<vmem>>, %arg8: memref<128x128xf32, #tpu.memory_space<vmem>>, %arg9: memref<400x128xf32, #tpu.memory_space<vmem>>) attributes {dimension_semantics = [#tpu.dimension_semantics<arbitrary>], iteration_bounds = array<i64: 25>, scalar_prefetch = 0 : i64, scratch_operands = 0 : i64, tpu.core_type = #tpu.core_type<tc>, window_params = [{transform_indices = @transform_0, window_bounds = array<i64: 400, 128>}, {transform_indices = @transform_1, window_bounds = array<i64: 400, 128>}, {transform_indices = @transform_2, window_bounds = array<i64: 400, 128>}, {transform_indices = @transform_3, window_bounds = array<i64: 400, 1>}, {pipeline_mode = #tpu.pipeline_mode<synchronous>, transform_indices = @transform_4, window_bounds = array<i64: 1, 128>}, {pipeline_mode = #tpu.pipeline_mode<synchronous>, transform_indices = @transform_5, window_bounds = array<i64: 1, 128>}, {pipeline_mode = #tpu.pipeline_mode<synchronous>, transform_indices = @transform_6, window_bounds = array<i64: 1, 128>}, {pipeline_mode = #tpu.pipeline_mode<synchronous>, transform_indices = @transform_7, window_bounds = array<i64: 128, 128>}, {transform_indices = @transform_8, window_bounds = array<i64: 400, 128>}]} {
    %get3A = arith.constant 0 : index
    %get3A_0 = arith.constant 0 : index
    %get3A_1 = vector.load %arg4[%get3A, %get3A_0] : memref<400x1xf32, #tpu.memory_space<vmem>>, vector<400x1xf32>
    %gt3A = arith.constant 0.000000e+00 : f32
    %gt3A_2 = vector.broadcast %gt3A : f32 to vector<400x1xf32>
    %gt3A_3 = arith.cmpf ogt, %get3A_1, %gt3A_2 : vector<400x1xf32>
    %rsqrt3A = math.rsqrt %get3A_1 : vector<400x1xf32>
    %jit3A = arith.constant 0.000000e+00 : f32
    %broadcast_in_dim3A = vector.broadcast %jit3A : f32 to vector<400x1xf32>
    %select_n3A = arith.select %gt3A_3, %rsqrt3A, %broadcast_in_dim3A : vector<400x1xi1>, vector<400x1xf32>
    %get3A_4 = arith.constant 0 : index
    %get3A_5 = arith.constant 0 : index
    %get3A_6 = vector.load %arg1[%get3A_4, %get3A_5] : memref<400x128xf32, #tpu.memory_space<vmem>>, vector<400x128xf32>
    %get3A_7 = arith.constant 0 : index
    %get3A_8 = arith.constant 0 : index
    %get3A_9 = vector.load %arg2[%get3A_7, %get3A_8] : memref<400x128xf32, #tpu.memory_space<vmem>>, vector<400x128xf32>
    %add3A = arith.addf %get3A_6, %get3A_9 : vector<400x128xf32>
    %get3A_10 = arith.constant 0 : index
    %get3A_11 = arith.constant 0 : index
    %get3A_12 = vector.load %arg3[%get3A_10, %get3A_11] : memref<400x128xf32, #tpu.memory_space<vmem>>, vector<400x128xf32>
    %add3A_13 = arith.addf %add3A, %get3A_12 : vector<400x128xf32>
    %mul3A = vector.broadcast %select_n3A : vector<400x1xf32> to vector<400x128xf32>
    %mul3A_14 = arith.mulf %mul3A, %add3A_13 : vector<400x128xf32>
    %get3A_15 = arith.constant 0 : index
    %get3A_16 = arith.constant 0 : index
    %get3A_17 = vector.load %arg5[%get3A_15, %get3A_16] : memref<1x128xf32, #tpu.memory_space<vmem>>, vector<1x128xf32>
    %add3A_18 = vector.broadcast %get3A_17 : vector<1x128xf32> to vector<400x128xf32>
    %add3A_19 = arith.addf %mul3A_14, %add3A_18 : vector<400x128xf32>
    %reduce_sum3A = arith.constant dense<0.000000e+00> : vector<400xf32>
    %reduce_sum3A_20 = vector.multi_reduction <add>, %add3A_19, %reduce_sum3A [1] : vector<400x128xf32> to vector<400xf32>
    %broadcast_in_dim3A_21 = vector.shape_cast %reduce_sum3A_20 : vector<400xf32> to vector<400x1xf32>
    %div3A = arith.constant 1.280000e+02 : f32
    %div3A_22 = vector.broadcast %div3A : f32 to vector<400x1xf32>
    %div3A_23 = arith.divf %broadcast_in_dim3A_21, %div3A_22 : vector<400x1xf32>
    %sub3A = vector.broadcast %div3A_23 : vector<400x1xf32> to vector<400x128xf32>
    %sub3A_24 = arith.subf %add3A_19, %sub3A : vector<400x128xf32>
    %integer_pow3A = arith.mulf %sub3A_24, %sub3A_24 : vector<400x128xf32>
    %reduce_sum3A_25 = arith.constant dense<0.000000e+00> : vector<400xf32>
    %reduce_sum3A_26 = vector.multi_reduction <add>, %integer_pow3A, %reduce_sum3A_25 [1] : vector<400x128xf32> to vector<400xf32>
    %broadcast_in_dim3A_27 = vector.shape_cast %reduce_sum3A_26 : vector<400xf32> to vector<400x1xf32>
    %div3A_28 = arith.constant 1.280000e+02 : f32
    %div3A_29 = vector.broadcast %div3A_28 : f32 to vector<400x1xf32>
    %div3A_30 = arith.divf %broadcast_in_dim3A_27, %div3A_29 : vector<400x1xf32>
    %get3A_31 = arith.constant 0 : index
    %get3A_32 = arith.constant 0 : index
    %get3A_33 = vector.load %arg6[%get3A_31, %get3A_32] : memref<1x128xf32, #tpu.memory_space<vmem>>, vector<1x128xf32>
    %sub3A_34 = vector.broadcast %div3A_23 : vector<400x1xf32> to vector<400x128xf32>
    %sub3A_35 = arith.subf %add3A_19, %sub3A_34 : vector<400x128xf32>
    %mul3A_36 = vector.broadcast %get3A_33 : vector<1x128xf32> to vector<400x128xf32>
    %mul3A_37 = arith.mulf %mul3A_36, %sub3A_35 : vector<400x128xf32>
    %add3A_38 = arith.constant 9.99999974E-6 : f32
    %add3A_39 = vector.broadcast %add3A_38 : f32 to vector<400x1xf32>
    %add3A_40 = arith.addf %div3A_30, %add3A_39 : vector<400x1xf32>
    %rsqrt3A_41 = math.rsqrt %add3A_40 : vector<400x1xf32>
    %mul3A_42 = vector.broadcast %rsqrt3A_41 : vector<400x1xf32> to vector<400x128xf32>
    %mul3A_43 = arith.mulf %mul3A_37, %mul3A_42 : vector<400x128xf32>
    %get3A_44 = arith.constant 0 : index
    %get3A_45 = arith.constant 0 : index
    %get3A_46 = vector.load %arg7[%get3A_44, %get3A_45] : memref<1x128xf32, #tpu.memory_space<vmem>>, vector<1x128xf32>
    %add3A_47 = vector.broadcast %get3A_46 : vector<1x128xf32> to vector<400x128xf32>
    %add3A_48 = arith.addf %mul3A_43, %add3A_47 : vector<400x128xf32>
    %max3A = arith.constant 0.000000e+00 : f32
    %max3A_49 = vector.broadcast %max3A : f32 to vector<400x128xf32>
    %max3A_50 = arith.maximumf %add3A_48, %max3A_49 : vector<400x128xf32>
    %get3A_51 = arith.constant 0 : index
    %get3A_52 = arith.constant 0 : index
    %get3A_53 = vector.load %arg8[%get3A_51, %get3A_52] : memref<128x128xf32, #tpu.memory_space<vmem>>, vector<128x128xf32>
    %dot_general3A = arith.constant dense<0.000000e+00> : vector<400x128xf32>
    %dot_general3A_54 = tpu.matmul %max3A_50, %get3A_53, %dot_general3A {dimension_numbers = #tpu.dot_dimension_numbers<[1], [0], [0], [1], [0, 0, 1, 1], [], []>, transpose_lhs_hint = false} : vector<400x128xf32>, vector<128x128xf32>, vector<400x128xf32> -> vector<400x128xf32>
    %mul3A_55 = vector.broadcast %select_n3A : vector<400x1xf32> to vector<400x128xf32>
    %mul3A_56 = arith.mulf %dot_general3A_54, %mul3A_55 : vector<400x128xf32>
    %swap3A = arith.constant 0 : index
    %swap3A_57 = arith.constant 0 : index
    %swap3A_58 = vector.load %arg9[%swap3A, %swap3A_57] : memref<400x128xf32, #tpu.memory_space<vmem>>, vector<400x128xf32>
    tpu.vector_store %arg9[%swap3A, %swap3A_57], %mul3A_56 {strides = array<i32>} : memref<400x128xf32, #tpu.memory_space<vmem>>, vector<400x128xf32>,
    return
  }
  func.func @transform_0(%arg0: i32) -> (i32, i32) {
    %c0_i32 = arith.constant 0 : i32
    %c0_i32_0 = arith.constant 0 : i32
    return %arg0, %c0_i32 : i32, i32
  }
  func.func @transform_1(%arg0: i32) -> (i32, i32) {
    %c0_i32 = arith.constant 0 : i32
    %c0_i32_0 = arith.constant 0 : i32
    return %arg0, %c0_i32 : i32, i32
  }
  func.func @transform_2(%arg0: i32) -> (i32, i32) {
    %c0_i32 = arith.constant 0 : i32
    %c0_i32_0 = arith.constant 0 : i32
    return %arg0, %c0_i32 : i32, i32
  }
  func.func @transform_3(%arg0: i32) -> (i32, i32) {
    %c0_i32 = arith.constant 0 : i32
    %c0_i32_0 = arith.constant 0 : i32
    return %arg0, %c0_i32 : i32, i32
  }
  func.func @transform_4(%arg0: i32) -> (i32, i32) {
    %c0_i32 = arith.constant 0 : i32
    %c0_i32_0 = arith.constant 0 : i32
    %c0_i32_1 = arith.constant 0 : i32
    return %c0_i32, %c0_i32_0 : i32, i32
  }
  func.func @transform_5(%arg0: i32) -> (i32, i32) {
    %c0_i32 = arith.constant 0 : i32
    %c0_i32_0 = arith.constant 0 : i32
    %c0_i32_1 = arith.constant 0 : i32
    return %c0_i32, %c0_i32_0 : i32, i32
  }
  func.func @transform_6(%arg0: i32) -> (i32, i32) {
    %c0_i32 = arith.constant 0 : i32
    %c0_i32_0 = arith.constant 0 : i32
    %c0_i32_1 = arith.constant 0 : i32
    return %c0_i32, %c0_i32_0 : i32, i32
  }
  func.func @transform_7(%arg0: i32) -> (i32, i32) {
    %c0_i32 = arith.constant 0 : i32
    %c0_i32_0 = arith.constant 0 : i32
    %c0_i32_1 = arith.constant 0 : i32
    return %c0_i32, %c0_i32_0 : i32, i32
  }
  func.func @transform_8(%arg0: i32) -> (i32, i32) {
    %c0_i32 = arith.constant 0 : i32
    %c0_i32_0 = arith.constant 0 : i32
    return %arg0, %c0_i32 : i32, i32
  }
}

module attributes {stable_mosaic.version = 14 : i64} {
  func.func @_tc_post_body(%arg0: i32, %arg1: memref<400x128xf32, #tpu.memory_space<vmem>>, %arg2: memref<400x128xf32, #tpu.memory_space<vmem>>, %arg3: memref<400x128xf32, #tpu.memory_space<vmem>>, %arg4: memref<400x1xf32, #tpu.memory_space<vmem>>, %arg5: memref<1x128xf32, #tpu.memory_space<vmem>>, %arg6: memref<1x128xf32, #tpu.memory_space<vmem>>, %arg7: memref<1x128xf32, #tpu.memory_space<vmem>>, %arg8: memref<400x128xf32, #tpu.memory_space<vmem>>) attributes {dimension_semantics = [#tpu.dimension_semantics<arbitrary>], iteration_bounds = array<i64: 25>, scalar_prefetch = 0 : i64, scratch_operands = 0 : i64, tpu.core_type = #tpu.core_type<tc>, window_params = [{transform_indices = @transform_0, window_bounds = array<i64: 400, 128>}, {transform_indices = @transform_1, window_bounds = array<i64: 400, 128>}, {transform_indices = @transform_2, window_bounds = array<i64: 400, 128>}, {transform_indices = @transform_3, window_bounds = array<i64: 400, 1>}, {pipeline_mode = #tpu.pipeline_mode<synchronous>, transform_indices = @transform_4, window_bounds = array<i64: 1, 128>}, {pipeline_mode = #tpu.pipeline_mode<synchronous>, transform_indices = @transform_5, window_bounds = array<i64: 1, 128>}, {pipeline_mode = #tpu.pipeline_mode<synchronous>, transform_indices = @transform_6, window_bounds = array<i64: 1, 128>}, {transform_indices = @transform_7, window_bounds = array<i64: 400, 128>}]} {
    %get3A = arith.constant 0 : index
    %get3A_0 = arith.constant 0 : index
    %get3A_1 = vector.load %arg4[%get3A, %get3A_0] : memref<400x1xf32, #tpu.memory_space<vmem>>, vector<400x1xf32>
    %gt3A = arith.constant 0.000000e+00 : f32
    %gt3A_2 = vector.broadcast %gt3A : f32 to vector<400x1xf32>
    %gt3A_3 = arith.cmpf ogt, %get3A_1, %gt3A_2 : vector<400x1xf32>
    %rsqrt3A = math.rsqrt %get3A_1 : vector<400x1xf32>
    %jit3A = arith.constant 0.000000e+00 : f32
    %broadcast_in_dim3A = vector.broadcast %jit3A : f32 to vector<400x1xf32>
    %select_n3A = arith.select %gt3A_3, %rsqrt3A, %broadcast_in_dim3A : vector<400x1xi1>, vector<400x1xf32>
    %get3A_4 = arith.constant 0 : index
    %get3A_5 = arith.constant 0 : index
    %get3A_6 = vector.load %arg1[%get3A_4, %get3A_5] : memref<400x128xf32, #tpu.memory_space<vmem>>, vector<400x128xf32>
    %get3A_7 = arith.constant 0 : index
    %get3A_8 = arith.constant 0 : index
    %get3A_9 = vector.load %arg2[%get3A_7, %get3A_8] : memref<400x128xf32, #tpu.memory_space<vmem>>, vector<400x128xf32>
    %add3A = arith.addf %get3A_6, %get3A_9 : vector<400x128xf32>
    %get3A_10 = arith.constant 0 : index
    %get3A_11 = arith.constant 0 : index
    %get3A_12 = vector.load %arg3[%get3A_10, %get3A_11] : memref<400x128xf32, #tpu.memory_space<vmem>>, vector<400x128xf32>
    %add3A_13 = arith.addf %add3A, %get3A_12 : vector<400x128xf32>
    %mul3A = vector.broadcast %select_n3A : vector<400x1xf32> to vector<400x128xf32>
    %mul3A_14 = arith.mulf %mul3A, %add3A_13 : vector<400x128xf32>
    %get3A_15 = arith.constant 0 : index
    %get3A_16 = arith.constant 0 : index
    %get3A_17 = vector.load %arg5[%get3A_15, %get3A_16] : memref<1x128xf32, #tpu.memory_space<vmem>>, vector<1x128xf32>
    %add3A_18 = vector.broadcast %get3A_17 : vector<1x128xf32> to vector<400x128xf32>
    %add3A_19 = arith.addf %mul3A_14, %add3A_18 : vector<400x128xf32>
    %reduce_sum3A = arith.constant dense<0.000000e+00> : vector<400xf32>
    %reduce_sum3A_20 = vector.multi_reduction <add>, %add3A_19, %reduce_sum3A [1] : vector<400x128xf32> to vector<400xf32>
    %broadcast_in_dim3A_21 = vector.shape_cast %reduce_sum3A_20 : vector<400xf32> to vector<400x1xf32>
    %div3A = arith.constant 1.280000e+02 : f32
    %div3A_22 = vector.broadcast %div3A : f32 to vector<400x1xf32>
    %div3A_23 = arith.divf %broadcast_in_dim3A_21, %div3A_22 : vector<400x1xf32>
    %sub3A = vector.broadcast %div3A_23 : vector<400x1xf32> to vector<400x128xf32>
    %sub3A_24 = arith.subf %add3A_19, %sub3A : vector<400x128xf32>
    %integer_pow3A = arith.mulf %sub3A_24, %sub3A_24 : vector<400x128xf32>
    %reduce_sum3A_25 = arith.constant dense<0.000000e+00> : vector<400xf32>
    %reduce_sum3A_26 = vector.multi_reduction <add>, %integer_pow3A, %reduce_sum3A_25 [1] : vector<400x128xf32> to vector<400xf32>
    %broadcast_in_dim3A_27 = vector.shape_cast %reduce_sum3A_26 : vector<400xf32> to vector<400x1xf32>
    %div3A_28 = arith.constant 1.280000e+02 : f32
    %div3A_29 = vector.broadcast %div3A_28 : f32 to vector<400x1xf32>
    %div3A_30 = arith.divf %broadcast_in_dim3A_27, %div3A_29 : vector<400x1xf32>
    %get3A_31 = arith.constant 0 : index
    %get3A_32 = arith.constant 0 : index
    %get3A_33 = vector.load %arg6[%get3A_31, %get3A_32] : memref<1x128xf32, #tpu.memory_space<vmem>>, vector<1x128xf32>
    %sub3A_34 = vector.broadcast %div3A_23 : vector<400x1xf32> to vector<400x128xf32>
    %sub3A_35 = arith.subf %add3A_19, %sub3A_34 : vector<400x128xf32>
    %mul3A_36 = vector.broadcast %get3A_33 : vector<1x128xf32> to vector<400x128xf32>
    %mul3A_37 = arith.mulf %mul3A_36, %sub3A_35 : vector<400x128xf32>
    %add3A_38 = arith.constant 9.99999974E-6 : f32
    %add3A_39 = vector.broadcast %add3A_38 : f32 to vector<400x1xf32>
    %add3A_40 = arith.addf %div3A_30, %add3A_39 : vector<400x1xf32>
    %rsqrt3A_41 = math.rsqrt %add3A_40 : vector<400x1xf32>
    %mul3A_42 = vector.broadcast %rsqrt3A_41 : vector<400x1xf32> to vector<400x128xf32>
    %mul3A_43 = arith.mulf %mul3A_37, %mul3A_42 : vector<400x128xf32>
    %get3A_44 = arith.constant 0 : index
    %get3A_45 = arith.constant 0 : index
    %get3A_46 = vector.load %arg7[%get3A_44, %get3A_45] : memref<1x128xf32, #tpu.memory_space<vmem>>, vector<1x128xf32>
    %add3A_47 = vector.broadcast %get3A_46 : vector<1x128xf32> to vector<400x128xf32>
    %add3A_48 = arith.addf %mul3A_43, %add3A_47 : vector<400x128xf32>
    %max3A = arith.constant 0.000000e+00 : f32
    %max3A_49 = vector.broadcast %max3A : f32 to vector<400x128xf32>
    %max3A_50 = arith.maximumf %add3A_48, %max3A_49 : vector<400x128xf32>
    %swap3A = arith.constant 0 : index
    %swap3A_51 = arith.constant 0 : index
    %swap3A_52 = vector.load %arg8[%swap3A, %swap3A_51] : memref<400x128xf32, #tpu.memory_space<vmem>>, vector<400x128xf32>
    tpu.vector_store %arg8[%swap3A, %swap3A_51], %max3A_50 {strides = array<i32>} : memref<400x128xf32, #tpu.memory_space<vmem>>, vector<400x128xf32>,
    return
  }
  func.func @transform_0(%arg0: i32) -> (i32, i32) {
    %c0_i32 = arith.constant 0 : i32
    %c0_i32_0 = arith.constant 0 : i32
    return %arg0, %c0_i32 : i32, i32
  }
  func.func @transform_1(%arg0: i32) -> (i32, i32) {
    %c0_i32 = arith.constant 0 : i32
    %c0_i32_0 = arith.constant 0 : i32
    return %arg0, %c0_i32 : i32, i32
  }
  func.func @transform_2(%arg0: i32) -> (i32, i32) {
    %c0_i32 = arith.constant 0 : i32
    %c0_i32_0 = arith.constant 0 : i32
    return %arg0, %c0_i32 : i32, i32
  }
  func.func @transform_3(%arg0: i32) -> (i32, i32) {
    %c0_i32 = arith.constant 0 : i32
    %c0_i32_0 = arith.constant 0 : i32
    return %arg0, %c0_i32 : i32, i32
  }
  func.func @transform_4(%arg0: i32) -> (i32, i32) {
    %c0_i32 = arith.constant 0 : i32
    %c0_i32_0 = arith.constant 0 : i32
    %c0_i32_1 = arith.constant 0 : i32
    return %c0_i32, %c0_i32_0 : i32, i32
  }
  func.func @transform_5(%arg0: i32) -> (i32, i32) {
    %c0_i32 = arith.constant 0 : i32
    %c0_i32_0 = arith.constant 0 : i32
    %c0_i32_1 = arith.constant 0 : i32
    return %c0_i32, %c0_i32_0 : i32, i32
  }
  func.func @transform_6(%arg0: i32) -> (i32, i32) {
    %c0_i32 = arith.constant 0 : i32
    %c0_i32_0 = arith.constant 0 : i32
    %c0_i32_1 = arith.constant 0 : i32
    return %c0_i32, %c0_i32_0 : i32, i32
  }
  func.func @transform_7(%arg0: i32) -> (i32, i32) {
    %c0_i32 = arith.constant 0 : i32
    %c0_i32_0 = arith.constant 0 : i32
    return %arg0, %c0_i32 : i32, i32
  }
}

</mosaic_0001>

<sc_bundles>
// kernel: kernel.11.cloned.1.call-start
scs
__scs_entry_jumppad:
0x0: {  	(pc) =	sbr.rel $0x88, $3  }
0x1: {  	(tag) =	ssettag $0x0;
	lr =	simm.s32 $0x1  }
0x2: {  	[smem:$0x3F97] =	sst lr;
	_ =	strace $0xD0000000  }
0x3: {  	_ = 	snop  }
0x4: {  	_ = 	snop  }
0x5: {  	_ = 	snop  }
0x6: {  	_ = 	snop  }
0x7: {  	_ = 	snop  }
__scs_overlays_trampoline_lowered:
0x8: {  	[smem:$0x3FA6] =	sst s0  }
0x9: {  	[smem:$0x3FA7] =	sst s1  }
0xa: {  	[smem:$0x3FA8] =	sst s2  }
0xb: {  	[smem:$0x3FA9] =	sst s3  }
0xc: {  	[smem:$0x3FAA] =	sst s4  }
0xd: {  	[smem:$0x3FAB] =	sst s5  }
0xe: {  	[smem:$0x3FAC] =	sst s6  }
0xf: {  	[smem:$0x3FAD] =	sst s7  }
0x10: {  	[smem:$0x3FAE] =	sst s8  }
0x11: {  	[smem:$0x3FAF] =	sst s9;
	s0 =	simm.s32 @!p0 $0x0  }
0x12: {  	s1 =	sld [smem:$0x3F95];
	s0 =	simm.s32 @p0 $0x1  }
0x13: {  	[smem:$0x3FB0] =	sst s0;
	s0 =	simm.s32 @!p1 $0x0  }
0x14: {  	s2 =	sld [smem:$0x3F94];
	s0 =	simm.s32 @p1 $0x1  }
0x15: {  	[smem:$0x3FB1] =	sst s0;
	s0 =	simm.s32 @!p2 $0x0  }
0x16: {  	s3 =	sld [smem:$0x3FDB];
	s0 =	simm.s32 @p2 $0x1  }
0x17: {  	s4 =	simm.s32 $0x1BF5;
	[smem:$0x3FB3] =	sst s0  }
0x18: {  	s0 =	sld [smem:$0x3F96];
	_ =	swait.ge [sflag:s4], $0x0  }
0x19: {  	s7 =	sld [smem:$0x3F97]  }
0x1a: {  	s8 =	sadd.s32 $0xFFFFE003, lr  }
0x1b: {  	s9 =	sadd.s32 $0xFFFFFEF7, lr;
	s5 =	simm.s32 $0xFFFFFFFF;
	p2 =	slt.u32 s8, $0xFFFFF086  }
0x1c: {  	p1 =	slt.u32 s9, $0xF7A;
	s5 =	simm.s32 @!p2 $0x0  }
0x1d: {  	s5 =	simm.s32 @p1 $0x1;
	p0 =	seq.s32 s7, s2  }
0x1e: {  	s7 =	smul.u32 @!p0 $0xF7A, s2;
	p2 =	seq.s32 @!p0 s5, $0x0  }
0x1f: {  	s9 =	smul.u32 $0xF7A, s1;
	s8 =	simm.s32 @!p0 $0x1BF5;
	p2 =	por !p2, p0  }
0x20: {  	[sflag:s8] =	ssyncset.s32 @!p0 $0xFFFFF086;
	s6 =	sadd.s32 @!p0 s3, s7;
	s7 =	simm.s32 @!p0 $0x108  }
0x21: {  	s3 =	sadd.s32 s3, s9;
	s6 =	sadd.s32 @!p0 $0x88, s6;
	s7 =	simm.s32 @p2 $0x1082  }
0x22: {  	[simem:s7], [sflag:s8] =	dma.local @!p0 [hbm:s6], $0xF7A  }
0x23: {  	s9 =	sor.u32 $0xD0000000, s2;
	s6 =	simm.s32 $0x108;
	_ =	swait.ge @!p0 [sflag:s8], $0x0  }
0x24: {  	s3 =	sadd.s32 $0x88, s3;
	s6 =	simm.s32 @!p1 $0x1082;
	[sflag:s4] =	ssyncset.s32 $0xFFFFF086  }
0x25: {  	[simem:s6], [sflag:s4] =	dma.local [hbm:s3], $0xF7A  }
0x26: {  	[smem:$0x3F97] =	sst s1;
	(tag) =	ssettag s2;
	_ =	strace s9  }
0x27: {  	s1 =	sld [smem:$0x3FA7]  }
0x28: {  	s2 =	sld [smem:$0x3FA8]  }
0x29: {  	s4 =	sld [smem:$0x3FAA]  }
0x2a: {  	p0 =	seq.s32 s5, $0x0;
	s5 =	sld [smem:$0x3FAB]  }
0x2b: {  	s6 =	sld [smem:$0x3FAC]  }
0x2c: {  	s7 =	sld [smem:$0x3FAD]  }
0x2d: {  	s3 =	simm.s32 $0x108;
	s8 =	sld [smem:$0x3FAE]  }
0x2e: {  	s3 =	simm.s32 @!p0 $0x1082;
	s9 =	sld [smem:$0x3FAF]  }
0x2f: {  	lr =	sadd.s32 s0, s3;
	s0 =	sld [smem:$0x3FA6]  }
0x30: {  	s3 =	sld [smem:$0x3FA9]  }
0x31: {  	[smem:$0x3FB2] =	sst s10  }
0x32: {  	s10 =	sld [smem:$0x3FB0];
	_ =	sdelay $0x3  }
0x33: {  	p0 =	seq.s32 s10, $0x1;
	s10 =	sld [smem:$0x3FB2];
	_ =	sdelay $0x3  }
0x34: {  	[smem:$0x3FB2] =	sst s10  }
0x35: {  	s10 =	sld [smem:$0x3FB1];
	_ =	sdelay $0x3  }
0x36: {  	p1 =	seq.s32 s10, $0x1;
	s10 =	sld [smem:$0x3FB2];
	_ =	sdelay $0x3  }
0x37: {  	[smem:$0x3FB2] =	sst s10  }
0x38: {  	s10 =	sld [smem:$0x3FB3]  }
0x39: {  	_ = 	snop;
	(pc) =	sbr.ind lr, $3  }
0x3a: {  	_ = 	snop  }
0x3b: {  	_ = 	snop  }
0x3c: {  	p2 =	seq.s32 s10, $0x1;
	s10 =	sld [smem:$0x3FB2]  }
0x3d: {  	_ =	shalt  }
0x3e: {  	_ =	shalt  }
0x3f: {  	_ =	shalt  }
0x40: {  	_ =	shalt  }
0x41: {  	_ =	shalt  }
0x42: {  	_ =	shalt  }
0x43: {  	_ =	shalt  }
0x44: {  	_ =	shalt  }
0x45: {  	_ =	shalt  }
0x46: {  	_ =	shalt  }
0x47: {  	_ =	shalt  }
0x48: {  	_ =	shalt  }
0x49: {  	_ =	shalt  }
0x4a: {  	_ =	shalt  }
0x4b: {  	_ =	shalt  }
0x4c: {  	_ =	shalt  }
0x4d: {  	_ =	shalt  }
0x4e: {  	_ =	shalt  }
0x4f: {  	_ =	shalt  }
0x50: {  	_ =	shalt  }
0x51: {  	_ =	shalt  }
0x52: {  	_ =	shalt  }
0x53: {  	_ =	shalt  }
0x54: {  	_ =	shalt  }
0x55: {  	_ =	shalt  }
0x56: {  	_ =	shalt  }
0x57: {  	_ =	shalt  }
0x58: {  	_ =	shalt  }
0x59: {  	_ =	shalt  }
0x5a: {  	_ =	shalt  }
0x5b: {  	_ =	shalt  }
0x5c: {  	_ =	shalt  }
0x5d: {  	_ =	shalt  }
0x5e: {  	_ =	shalt  }
0x5f: {  	_ =	shalt  }
0x60: {  	_ =	shalt  }
0x61: {  	_ =	shalt  }
0x62: {  	_ =	shalt  }
0x63: {  	_ =	shalt  }
0x64: {  	_ =	shalt  }
0x65: {  	_ =	shalt  }
0x66: {  	_ =	shalt  }
0x67: {  	_ =	shalt  }
0x68: {  	_ =	shalt  }
0x69: {  	_ =	shalt  }
0x6a: {  	_ =	shalt  }
0x6b: {  	_ =	shalt  }
0x6c: {  	_ =	shalt  }
0x6d: {  	_ =	shalt  }
0x6e: {  	_ =	shalt  }
0x6f: {  	_ =	shalt  }
0x70: {  	_ =	shalt  }
0x71: {  	_ =	shalt  }
0x72: {  	_ =	shalt  }
0x73: {  	_ =	shalt  }
0x74: {  	_ =	shalt  }
0x75: {  	_ =	shalt  }
0x76: {  	_ =	shalt  }
0x77: {  	_ =	shalt  }
0x78: {  	_ =	shalt  }
0x79: {  	_ =	shalt  }
0x7a: {  	_ =	shalt  }
0x7b: {  	_ =	shalt  }
0x7c: {  	_ =	shalt  }
0x7d: {  	_ =	shalt  }
0x7e: {  	_ =	shalt  }
0x7f: {  	_ =	shalt  }
0x80: {  	_ =	shalt  }
0x81: {  	_ =	shalt  }
0x82: {  	_ =	shalt  }
0x83: {  	_ =	shalt  }
0x84: {  	_ =	shalt  }
0x85: {  	_ =	shalt  }
0x86: {  	_ =	shalt  }
0x87: {  	_ =	shalt  }
.Lfunc_end0:
.L_simem_size_0:
called_computation.1_lowered:
.L_overlay_start_0:
0x88: {  	s2 =	sld [smem:$0x3FD9]  }
0x89: {  	s3 =	sld [smem:$0x3FFE];
	_ =	sdelay $0x1  }
0x8a: {  	s1 =	srdreg.scid  }
0x8b: {  	s0 =	sand.u32 $0x1, s1  }
0x8c: {  	s17 =	sshll.u32 s0, $0xA;
	s2 =	sadd.s32 s3, s2  }
0x8d: {  	s2 =	sadd.s32 s2, s17  }
0x8e: {  	[smem:$0x3FBE] =	sst s2  }
0x8f: {  	_ = 	snop  }
0x90: {  	s2 =	sld [smem:$0x3FD0];
	(tm) =	ssettm $0x1  }
0x91: {  	s18 =	sld [smem:$0x3FFB];
	_ =	sdelay $0x3  }
0x92: {  	_ =	strace s18  }
0x93: {  	s3 =	sld [smem:$0x3FFC];
	_ =	sdelay $0x3  }
0x94: {  	_ =	strace s3  }
0x95: {  	s3 =	sld [smem:$0x3FFD];
	_ =	sdelay $0x3  }
0x96: {  	_ =	strace s3  }
0x97: {  	_ =	strace $0x8FFFFFFF  }
0x98: {  	s19 =	sld [smem:$0x3FDB];
	_ =	sdelay $0x1  }
0x99: {  	s4 =	simm.s32 $_scs_section_size  }
0x9a: {  	s5 =	simm.s32 $_size__tile_overlayer_lowered;
	s6 =	simm.s32 $_tile_overlayer_lowered  }
0x9b: {  	s22 =	simm.s32 $0x1BFF;
	s21 =	sshll.u32 s6, $0x1;
	s3 =	sadd.s32 s4, s19  }
0x9c: {  	s7 =	simm.s32 $0x0;
	s20 =	sshll.u32 s5, $0x1;
	s5 =	sadd.s32 s21, s3  }
0x9d: {  	[timem:s7], [sflag:s22] =	dma.local [hbm:s5], s20  }
0x9e: {  	_ =	swait.ge [sflag:s22], s20  }
0x9f: {  	s4 =	ssub.s32 $0x0, s20;
	[sflag:s22] =	ssyncset.done $0x0  }
0xa0: {  	[sflag:s22] =	ssyncadd.s32 s4;
	_ =	sdelay $0x1  }
0xa1: {  	s23 =	simm.s32 $0x1B8B  }
0xa2: {  	_ =	swait.ge [sflag:s23], $0x1  }
0xa3: {  	[sflag:s23] =	ssyncset.done $0x0  }
0xa4: {  	s25 =	simm.s32 $0x1B8E;
	s24 =	sld [smem:$0x3FFE];
	[sflag:s23] =	ssyncadd.s32 $0xFFFFFFFF  }
0xa5: {  	s26 =	simm.s32 $execute0_lowered;
	[smem:$0x3FD2] =	sst s25  }
0xa6: {  	s5 =	sshll.u32 s26, $0x1;
	_ =	strace $0x80000049;
	[dreg:$0x1] =	wrdreg $0xFFFFFFFF  }
0xa7: {  	s28 =	simm.s32 $_size_execute0_lowered;
	s3 =	sadd.s32 s3, s5;
	[dreg:$0x0] =	wrdreg $0x0  }
0xa8: {  	s5 =	sshll.u32 s28, $0x1;
	[dreg:$0x2] =	wrdreg s3  }
0xa9: {  	[dreg:$0x3] =	wrdreg s5  }
0xaa: {  	[dreg:$0x4] =	wrdreg $0xC0  }
0xab: {  	_ =	task [dreg:s7], $0x5FFFF  }
0xac: {  	[dreg:$0x1] =	wrdreg $0xFFFFFFFF  }
0xad: {  	[dreg:$0x0] =	wrdreg $0x60  }
0xae: {  	[dreg:$0x2] =	wrdreg s2  }
0xaf: {  	[dreg:$0x3] =	wrdreg s24  }
0xb0: {  	[dreg:$0x4] =	wrdreg $0x41000  }
0xb1: {  	[dreg:$0x5] =	wrdreg $0x9  }
0xb2: {  	_ =	task.clear_ibuf [dreg:s7], $0x6FFFF;
	_ =	strace $0x90000049  }
0xb3: {  	s29 =	simm.s32 $0x9;
	_ =	strace $0x8000004B  }
0xb4: {  	_ =	swait.ge [sflag:s29], $0x1  }
0xb5: {  	[sflag:s29] =	ssyncadd.s32 $0xFFFFFFFF  }
0xb6: {  	_ =	strace $0x9000004B  }
0xb7: {  	_ =	sfence  }
0xb8: {  	s30 =	sld [smem:$0x0];
	_ =	sdelay $0x2  }
0xb9: {  	s31 =	sshll.u32 s1, $0xD;
	s1 =	sshrl.u32 s1, $0x2  }
0xba: {  	s3 =	sand.u32 $0x4000, s31;
	s1 =	sadd.s32 s1, s30  }
0xbb: {  	s0 =	sor.u32 s3, s0;
	s1 =	sshll.u32 s1, $0x11  }
0xbc: {  	s0 =	sor.u32 s1, s0  }
0xbd: {  	s0 =	sadd.s32 $0x8F2B, s0  }
0xbe: {  	[sflag:s0] =	ssyncadd.remote.s32 $0x1  }
0xbf: {  	_ =	sfence.sel $0xFFFF  }
0xc0: {  	[dreg:$0x0] =	wrdreg $0xFFFFFFFF;
	(pc) =	sbr.abs _section_cstart, $3  }
0xc1: {  	[dreg:$0x1] =	wrdreg $0xFFFFFFFF  }
0xc2: {  	_ =	task.clear_ibuf [dreg:s7], $0x2FFFF;
	_ =	strace $0x9FFFFFFF  }
0xc3: {  	(tm) =	ssettm $0x7FFFFFFF  }
tec
execute0_lowered:
.L_overlay_start_1:
0x0: {  	(tag) =	ssettag $0x1  }
0x1: {  	s0 =	rddreg [dreg:$0x0]  }
0x2: {  	s5 =	rddreg [dreg:$0x1];
	s1 =	srdreg.scid  }
0x3: {  	s3 =	rddreg [dreg:$0x2];
	s2 =	stileid.u32  }
0x4: {  	s4 =	simm.s32 $0x0;
	s13 =	simm.s32 $0x80;
	s8 =	smul.u32 $0x2800, s2  }
0x5: {  	s14 =	simm.s32 $0x100;
	s15 =	simm.s32 $0x1;
	s26 =	smul.u32 $0x50000, s2  }
0x6: {  	s6 =	sand.u32 $0x1, s1;
	s1 =	rddreg [dreg:$0x3];
	s30 =	smul.u32 $0x4F0, s2  }
0x7: {  	s16 =	simm.s32 $0x0;
	[smem:$0x7FF] =	sst s4;
	s7 =	smul.u32 $0x4F00, s6  }
0x8: {  	s31 =	sshll.u32 s2, $0x6;
	s9 =	smul.u32 $0x28000, s6;
	s6 =	ssub.s32 $0x2, s6  }
0x9: {  	_ =	strace $0x8000004A;
	s28 =	sshrl.u32 s6, $0x1;
	s29 =	sshrl.u32 s26, $0x2  }
0xa: {  	s10 =	sadd.s32 s7, s5;
	s25 =	sadd.s32 s8, s9;
	s8 =	sadd.s32 s8, s5  }
0xb: {  	s11 =	ssub.s32 s6, s28;
	s12 =	sadd.s32 s29, s3;
	s6 =	sor.u32 $0x1C02, s31  }
0xc: {  	s7 =	sadd.s32 s25, s5;
	s5 =	sadd.s32 $0xD600, s8;
	s10 =	sadd.s32 s30, s10  }
0xd: {  	s8 =	smax.u32 s11, $0x1;
	s11 =	sshrl.u32 s12, $0x3;
	s12 =	simm.s32 $0x2  }
0xe: {  	s7 =	sadd.s32 $0x8F400, s7;
	s9 =	sadd.s32 $0x3800, s10;
	s10 =	sadd.s32 $0x85600, s10  }
.LBB2_1:
0xf: {  	[spmem:s11], [sflag:s6] =	dma.local [hbm:s5], $0x2800  }
0x10: {  	_ =	swait.ge [sflag:s12], $0x2800  }
0x11: {  	[sflag:s12] =	ssyncset.done $0x0  }
0x12: {  	[sflag:s12] =	ssyncadd.s32 $0xFFFFD800  }
0x13: {  	s17 =	sadd.s32 $0x0, s10;
	[bflag:$0x0] =	sbarrier.arrive $0xFFFF  }
0x14: {  	[tilespmem:s4], [sflag:$0x2] =	stream.linear.gather [hbm4b:s17+s4], $0x80, $0x38;
	[tilespmem:$0x18100] =	vst v63  }
0x15: {  	_ =	swait.ge [sflag:s12], $0x80  }
0x16: {  	[sflag:s12] =	ssyncset.done $0x0  }
0x17: {  	s31 =	sadd.s32 $0x0, s9;
	[sflag:s12] =	ssyncadd.s32 $0xFFFFFF80  }
0x18: {  	[tilespmem:s13], [sflag:$0x2] =	stream.linear.gather [hbm4b:s31+s4], $0x80, $0x38;
	[tilespmem:$0x18100] =	vst v63  }
0x19: {  	_ =	swait.ge [sflag:s12], $0x80  }
0x1a: {  	[sflag:s12] =	ssyncset.done $0x0  }
0x1b: {  	[sflag:s12] =	ssyncadd.s32 $0xFFFFFF80  }
0x1c: {  	[tilespmem:s14], [sflag:$0x1] =	stream.indirect.gather [hbm4b:s0+s13], $0x80, s4, s13, $0xb8;
	[tilespmem:$0x18100] =	vst v63  }
0x1d: {  	_ =	swait.ge [sflag:s15], $0x4000  }
0x1e: {  	[sflag:s15] =	ssyncset.done $0x0  }
0x1f: {  	[sflag:s15] =	ssyncadd.s32 $0xFFFFC000  }
0x20: {  	[spmem:s3] =	stream.indirect.scatter.add.f32 [tilespmem:s14], [sflag:$0x2], $0x80, s13, s13, $0xb8;
	[tilespmem:$0x18100] =	vst v63  }
0x21: {  	_ =	swait.ge [sflag:s12], $0x4000  }
0x22: {  	s18 =	simm.s32 $0x20;
	s17 =	simm.s32 $0x10;
	[sflag:s12] =	ssyncset.done $0x0  }
.LBB2_2:
0x23: {  	s19 =	sadd.s32 s17, s10  }
0x24: {  	[sflag:s12] =	ssyncadd.s32 $0xFFFFC000;
	s20 =	smov.u32 s18;
	s21 =	sadd.s32 $0x10, s18  }
0x25: {  	[tilespmem:s4], [sflag:$0x2] =	stream.linear.gather [hbm4b:s19+s4], $0x80, $0x38;
	[tilespmem:$0x18100] =	vst v63  }
0x26: {  	p0 =	sne.s32 s18, $0x4E0;
	_ =	swait.ge [sflag:s12], $0x80  }
0x27: {  	[sflag:s12] =	ssyncset.done $0x0  }
0x28: {  	s18 =	sadd.s32 s17, s9;
	s17 =	smov.u32 s20;
	[sflag:s12] =	ssyncadd.s32 $0xFFFFFF80  }
0x29: {  	[tilespmem:s13], [sflag:$0x2] =	stream.linear.gather [hbm4b:s18+s4], $0x80, $0x38;
	[tilespmem:$0x18100] =	vst v63  }
0x2a: {  	_ =	swait.ge [sflag:s12], $0x80  }
0x2b: {  	[sflag:s12] =	ssyncset.done $0x0  }
0x2c: {  	[sflag:s12] =	ssyncadd.s32 $0xFFFFFF80  }
0x2d: {  	[tilespmem:s14], [sflag:$0x1] =	stream.indirect.gather [hbm4b:s0+s13], $0x80, s4, s13, $0xb8;
	[tilespmem:$0x18100] =	vst v63  }
0x2e: {  	_ =	swait.ge [sflag:s15], $0x4000  }
.Ltmp0:
0x2f: {  	[sflag:s15] =	ssyncset.done $0x0;
	(pc) =	sbr.rel @p0 .LBB2_2-.Ltmp0, $4  }
0x30: {  	[sflag:s15] =	ssyncadd.s32 $0xFFFFC000  }
0x31: {  	[spmem:s3] =	stream.indirect.scatter.add.f32 [tilespmem:s14], [sflag:$0x2], $0x80, s13, s13, $0xb8;
	[tilespmem:$0x18100] =	vst v63  }
0x32: {  	_ =	swait.ge [sflag:s12], $0x4000  }
0x33: {  	s18 =	smov.u32 s21;
	[sflag:s12] =	ssyncset.done $0x0  }
0x34: {  	s18 =	sadd.s32 s17, s10;
	[sflag:s12] =	ssyncadd.s32 $0xFFFFC000  }
0x35: {  	[tilespmem:s4], [sflag:$0x2] =	stream.linear.gather [hbm4b:s18+s4], $0x80, $0x38;
	[tilespmem:$0x18100] =	vst v63  }
0x36: {  	_ =	swait.ge [sflag:s12], $0x80  }
0x37: {  	[sflag:s12] =	ssyncset.done $0x0  }
0x38: {  	s31 =	sadd.s32 s17, s9;
	[sflag:s12] =	ssyncadd.s32 $0xFFFFFF80  }
0x39: {  	[tilespmem:s13], [sflag:$0x2] =	stream.linear.gather [hbm4b:s31+s4], $0x80, $0x38;
	[tilespmem:$0x18100] =	vst v63  }
0x3a: {  	_ =	swait.ge [sflag:s12], $0x80  }
0x3b: {  	[sflag:s12] =	ssyncset.done $0x0  }
0x3c: {  	[sflag:s12] =	ssyncadd.s32 $0xFFFFFF80  }
0x3d: {  	[tilespmem:s14], [sflag:$0x1] =	stream.indirect.gather [hbm4b:s0+s13], $0x80, s4, s13, $0xb8;
	[tilespmem:$0x18100] =	vst v63  }
0x3e: {  	_ =	swait.ge [sflag:s15], $0x4000  }
0x3f: {  	[sflag:s15] =	ssyncset.done $0x0  }
0x40: {  	[sflag:s15] =	ssyncadd.s32 $0xFFFFC000  }
0x41: {  	[spmem:s3] =	stream.indirect.scatter.add.f32 [tilespmem:s14], [sflag:$0x2], $0x80, s13, s13, $0xb8;
	[tilespmem:$0x18100] =	vst v63  }
0x42: {  	_ =	swait.ge [sflag:s12], $0x4000  }
0x43: {  	s16 =	sadd.s32 $0x1, s16;
	[sflag:s12] =	ssyncset.done $0x0  }
0x44: {  	p0 =	sne.s32 s16, s8;
	[sflag:s12] =	ssyncadd.s32 $0xFFFFC000  }
.Ltmp1:
0x45: {  	[bflag:$0x0] =	sbarrier.arrive $0xFFFF;
	(pc) =	sbr.rel @p0 .LBB2_1-.Ltmp1, $4  }
0x46: {  	[hbm:s7], [sflag:s6] =	dma.local [spmem:s11], $0x2800  }
0x47: {  	_ =	swait.ge [sflag:s12], $0x2800  }
0x48: {  	[sflag:s12] =	ssyncset.done $0x0  }
0x49: {  	[sflag:s12] =	ssyncadd.s32 $0xFFFFD800  }
0x4a: {  	_ =	sfence.sel $0x180000  }
0x4b: {  	[bflag:$0x0] =	sbarrier.arrive $0xFFFF  }
0x4c: {  	p0 =	sne.s32 s2, $0x0;
	_ =	strace $0x9000004A  }
0x4d: {  	s0 =	sadd.s32 @!p0 $0x100000, s1;
	[bflag:$0x2] =	sbarrier.arrive $0xFFFF  }
0x4e: {  	[sflag:s0] =	ssyncadd.tile.s32 @!p0 $0x1;
	_ =	shalt  }
.Lfunc_end2:
_tile_overlayer_lowered:
.L_overlay_start_2:
0x4f: {  	(tag) =	ssettag $0x2  }
0x50: {  	s0 =	rddreg [dreg:$0x0];
	s2 =	stileid.u32  }
0x51: {  	s1 =	rddreg [dreg:$0x1];
	p0 =	sne.s32 s2, $0x0  }
0x52: {  	s3 =	rddreg [dreg:$0x2];
	[bflag:$0x3] =	sbarrier.arrive $0xFFFF;
	s2 =	simm.s32 @!p0 $0x1C02  }
0x53: {  	[timem:s3], [sflag:s2] =	dma.local @!p0 [hbm:s0], s1  }
0x54: {  	s0 =	simm.s32 @!p0 $0x2  }
0x55: {  	_ =	swait.ge @!p0 [sflag:s0], s1  }
0x56: {  	s1 =	ssub.s32 @!p0 $0x0, s1;
	[sflag:s0] =	ssyncset.done @!p0 $0x0  }
0x57: {  	[sflag:s0] =	ssyncadd.s32 @!p0 s1  }
0x58: {  	[bflag:$0x3] =	sbarrier.arrive $0xFFFF  }
0x59: {  	_ =	shalt  }

// kernel: kernel.14.cloned.1.call-start
scs
__scs_entry_jumppad:
0x0: {  	(pc) =	sbr.rel $0x88, $3  }
0x1: {  	(tag) =	ssettag $0x0;
	lr =	simm.s32 $0x1  }
0x2: {  	[smem:$0x3F97] =	sst lr;
	_ =	strace $0xD0000000  }
0x3: {  	_ = 	snop  }
0x4: {  	_ = 	snop  }
0x5: {  	_ = 	snop  }
0x6: {  	_ = 	snop  }
0x7: {  	_ = 	snop  }
__scs_overlays_trampoline_lowered:
0x8: {  	[smem:$0x3FA6] =	sst s0  }
0x9: {  	[smem:$0x3FA7] =	sst s1  }
0xa: {  	[smem:$0x3FA8] =	sst s2  }
0xb: {  	[smem:$0x3FA9] =	sst s3  }
0xc: {  	[smem:$0x3FAA] =	sst s4  }
0xd: {  	[smem:$0x3FAB] =	sst s5  }
0xe: {  	[smem:$0x3FAC] =	sst s6  }
0xf: {  	[smem:$0x3FAD] =	sst s7  }
0x10: {  	[smem:$0x3FAE] =	sst s8  }
0x11: {  	[smem:$0x3FAF] =	sst s9;
	s0 =	simm.s32 @!p0 $0x0  }
0x12: {  	s1 =	sld [smem:$0x3F95];
	s0 =	simm.s32 @p0 $0x1  }
0x13: {  	[smem:$0x3FB0] =	sst s0;
	s0 =	simm.s32 @!p1 $0x0  }
0x14: {  	s2 =	sld [smem:$0x3F94];
	s0 =	simm.s32 @p1 $0x1  }
0x15: {  	[smem:$0x3FB1] =	sst s0;
	s0 =	simm.s32 @!p2 $0x0  }
0x16: {  	s3 =	sld [smem:$0x3FDB];
	s0 =	simm.s32 @p2 $0x1  }
0x17: {  	s4 =	simm.s32 $0x1BF5;
	[smem:$0x3FB3] =	sst s0  }
0x18: {  	s0 =	sld [smem:$0x3F96];
	_ =	swait.ge [sflag:s4], $0x0  }
0x19: {  	s7 =	sld [smem:$0x3F97]  }
0x1a: {  	s8 =	sadd.s32 $0xFFFFE003, lr  }
0x1b: {  	s9 =	sadd.s32 $0xFFFFFEF7, lr;
	s5 =	simm.s32 $0xFFFFFFFF;
	p2 =	slt.u32 s8, $0xFFFFF086  }
0x1c: {  	p1 =	slt.u32 s9, $0xF7A;
	s5 =	simm.s32 @!p2 $0x0  }
0x1d: {  	s5 =	simm.s32 @p1 $0x1;
	p0 =	seq.s32 s7, s2  }
0x1e: {  	s7 =	smul.u32 @!p0 $0xF7A, s2;
	p2 =	seq.s32 @!p0 s5, $0x0  }
0x1f: {  	s9 =	smul.u32 $0xF7A, s1;
	s8 =	simm.s32 @!p0 $0x1BF5;
	p2 =	por !p2, p0  }
0x20: {  	[sflag:s8] =	ssyncset.s32 @!p0 $0xFFFFF086;
	s6 =	sadd.s32 @!p0 s3, s7;
	s7 =	simm.s32 @!p0 $0x108  }
0x21: {  	s3 =	sadd.s32 s3, s9;
	s6 =	sadd.s32 @!p0 $0x88, s6;
	s7 =	simm.s32 @p2 $0x1082  }
0x22: {  	[simem:s7], [sflag:s8] =	dma.local @!p0 [hbm:s6], $0xF7A  }
0x23: {  	s9 =	sor.u32 $0xD0000000, s2;
	s6 =	simm.s32 $0x108;
	_ =	swait.ge @!p0 [sflag:s8], $0x0  }
0x24: {  	s3 =	sadd.s32 $0x88, s3;
	s6 =	simm.s32 @!p1 $0x1082;
	[sflag:s4] =	ssyncset.s32 $0xFFFFF086  }
0x25: {  	[simem:s6], [sflag:s4] =	dma.local [hbm:s3], $0xF7A  }
0x26: {  	[smem:$0x3F97] =	sst s1;
	(tag) =	ssettag s2;
	_ =	strace s9  }
0x27: {  	s1 =	sld [smem:$0x3FA7]  }
0x28: {  	s2 =	sld [smem:$0x3FA8]  }
0x29: {  	s4 =	sld [smem:$0x3FAA]  }
0x2a: {  	p0 =	seq.s32 s5, $0x0;
	s5 =	sld [smem:$0x3FAB]  }
0x2b: {  	s6 =	sld [smem:$0x3FAC]  }
0x2c: {  	s7 =	sld [smem:$0x3FAD]  }
0x2d: {  	s3 =	simm.s32 $0x108;
	s8 =	sld [smem:$0x3FAE]  }
0x2e: {  	s3 =	simm.s32 @!p0 $0x1082;
	s9 =	sld [smem:$0x3FAF]  }
0x2f: {  	lr =	sadd.s32 s0, s3;
	s0 =	sld [smem:$0x3FA6]  }
0x30: {  	s3 =	sld [smem:$0x3FA9]  }
0x31: {  	[smem:$0x3FB2] =	sst s10  }
0x32: {  	s10 =	sld [smem:$0x3FB0];
	_ =	sdelay $0x3  }
0x33: {  	p0 =	seq.s32 s10, $0x1;
	s10 =	sld [smem:$0x3FB2];
	_ =	sdelay $0x3  }
0x34: {  	[smem:$0x3FB2] =	sst s10  }
0x35: {  	s10 =	sld [smem:$0x3FB1];
	_ =	sdelay $0x3  }
0x36: {  	p1 =	seq.s32 s10, $0x1;
	s10 =	sld [smem:$0x3FB2];
	_ =	sdelay $0x3  }
0x37: {  	[smem:$0x3FB2] =	sst s10  }
0x38: {  	s10 =	sld [smem:$0x3FB3]  }
0x39: {  	_ = 	snop;
	(pc) =	sbr.ind lr, $3  }
0x3a: {  	_ = 	snop  }
0x3b: {  	_ = 	snop  }
0x3c: {  	p2 =	seq.s32 s10, $0x1;
	s10 =	sld [smem:$0x3FB2]  }
0x3d: {  	_ =	shalt  }
0x3e: {  	_ =	shalt  }
0x3f: {  	_ =	shalt  }
0x40: {  	_ =	shalt  }
0x41: {  	_ =	shalt  }
0x42: {  	_ =	shalt  }
0x43: {  	_ =	shalt  }
0x44: {  	_ =	shalt  }
0x45: {  	_ =	shalt  }
0x46: {  	_ =	shalt  }
0x47: {  	_ =	shalt  }
0x48: {  	_ =	shalt  }
0x49: {  	_ =	shalt  }
0x4a: {  	_ =	shalt  }
0x4b: {  	_ =	shalt  }
0x4c: {  	_ =	shalt  }
0x4d: {  	_ =	shalt  }
0x4e: {  	_ =	shalt  }
0x4f: {  	_ =	shalt  }
0x50: {  	_ =	shalt  }
0x51: {  	_ =	shalt  }
0x52: {  	_ =	shalt  }
0x53: {  	_ =	shalt  }
0x54: {  	_ =	shalt  }
0x55: {  	_ =	shalt  }
0x56: {  	_ =	shalt  }
0x57: {  	_ =	shalt  }
0x58: {  	_ =	shalt  }
0x59: {  	_ =	shalt  }
0x5a: {  	_ =	shalt  }
0x5b: {  	_ =	shalt  }
0x5c: {  	_ =	shalt  }
0x5d: {  	_ =	shalt  }
0x5e: {  	_ =	shalt  }
0x5f: {  	_ =	shalt  }
0x60: {  	_ =	shalt  }
0x61: {  	_ =	shalt  }
0x62: {  	_ =	shalt  }
0x63: {  	_ =	shalt  }
0x64: {  	_ =	shalt  }
0x65: {  	_ =	shalt  }
0x66: {  	_ =	shalt  }
0x67: {  	_ =	shalt  }
0x68: {  	_ =	shalt  }
0x69: {  	_ =	shalt  }
0x6a: {  	_ =	shalt  }
0x6b: {  	_ =	shalt  }
0x6c: {  	_ =	shalt  }
0x6d: {  	_ =	shalt  }
0x6e: {  	_ =	shalt  }
0x6f: {  	_ =	shalt  }
0x70: {  	_ =	shalt  }
0x71: {  	_ =	shalt  }
0x72: {  	_ =	shalt  }
0x73: {  	_ =	shalt  }
0x74: {  	_ =	shalt  }
0x75: {  	_ =	shalt  }
0x76: {  	_ =	shalt  }
0x77: {  	_ =	shalt  }
0x78: {  	_ =	shalt  }
0x79: {  	_ =	shalt  }
0x7a: {  	_ =	shalt  }
0x7b: {  	_ =	shalt  }
0x7c: {  	_ =	shalt  }
0x7d: {  	_ =	shalt  }
0x7e: {  	_ =	shalt  }
0x7f: {  	_ =	shalt  }
0x80: {  	_ =	shalt  }
0x81: {  	_ =	shalt  }
0x82: {  	_ =	shalt  }
0x83: {  	_ =	shalt  }
0x84: {  	_ =	shalt  }
0x85: {  	_ =	shalt  }
0x86: {  	_ =	shalt  }
0x87: {  	_ =	shalt  }
.Lfunc_end0:
.L_simem_size_0:
called_computation.2_lowered:
.L_overlay_start_0:
0x88: {  	s2 =	sld [smem:$0x3FD9]  }
0x89: {  	s3 =	sld [smem:$0x3FFE];
	_ =	sdelay $0x1  }
0x8a: {  	s1 =	srdreg.scid  }
0x8b: {  	s0 =	sand.u32 $0x1, s1  }
0x8c: {  	s17 =	sshll.u32 s0, $0xA;
	s2 =	sadd.s32 s3, s2  }
0x8d: {  	s2 =	sadd.s32 s2, s17  }
0x8e: {  	[smem:$0x3FBE] =	sst s2  }
0x8f: {  	_ = 	snop  }
0x90: {  	s2 =	sld [smem:$0x3FD0];
	(tm) =	ssettm $0x1  }
0x91: {  	s18 =	sld [smem:$0x3FFB];
	_ =	sdelay $0x3  }
0x92: {  	_ =	strace s18  }
0x93: {  	s3 =	sld [smem:$0x3FFC];
	_ =	sdelay $0x3  }
0x94: {  	_ =	strace s3  }
0x95: {  	s3 =	sld [smem:$0x3FFD];
	_ =	sdelay $0x3  }
0x96: {  	_ =	strace s3  }
0x97: {  	_ =	strace $0x8FFFFFFF  }
0x98: {  	s19 =	sld [smem:$0x3FDB];
	_ =	sdelay $0x1  }
0x99: {  	s4 =	simm.s32 $_scs_section_size  }
0x9a: {  	s5 =	simm.s32 $_size__tile_overlayer_lowered;
	s6 =	simm.s32 $_tile_overlayer_lowered  }
0x9b: {  	s22 =	simm.s32 $0x1BFF;
	s21 =	sshll.u32 s6, $0x1;
	s3 =	sadd.s32 s4, s19  }
0x9c: {  	s7 =	simm.s32 $0x0;
	s20 =	sshll.u32 s5, $0x1;
	s5 =	sadd.s32 s21, s3  }
0x9d: {  	[timem:s7], [sflag:s22] =	dma.local [hbm:s5], s20  }
0x9e: {  	_ =	swait.ge [sflag:s22], s20  }
0x9f: {  	s4 =	ssub.s32 $0x0, s20;
	[sflag:s22] =	ssyncset.done $0x0  }
0xa0: {  	[sflag:s22] =	ssyncadd.s32 s4;
	_ =	sdelay $0x1  }
0xa1: {  	s23 =	simm.s32 $0x1B8B  }
0xa2: {  	_ =	swait.ge [sflag:s23], $0x1  }
0xa3: {  	[sflag:s23] =	ssyncset.done $0x0  }
0xa4: {  	s25 =	simm.s32 $0x1B8E;
	s24 =	sld [smem:$0x3FFE];
	[sflag:s23] =	ssyncadd.s32 $0xFFFFFFFF  }
0xa5: {  	s26 =	simm.s32 $execute0_lowered;
	[smem:$0x3FD2] =	sst s25  }
0xa6: {  	s5 =	sshll.u32 s26, $0x1;
	_ =	strace $0x8000004C;
	[dreg:$0x1] =	wrdreg $0xFFFFFFFF  }
0xa7: {  	s28 =	simm.s32 $_size_execute0_lowered;
	s3 =	sadd.s32 s3, s5;
	[dreg:$0x0] =	wrdreg $0x0  }
0xa8: {  	s5 =	sshll.u32 s28, $0x1;
	[dreg:$0x2] =	wrdreg s3  }
0xa9: {  	[dreg:$0x3] =	wrdreg s5  }
0xaa: {  	[dreg:$0x4] =	wrdreg $0xC0  }
0xab: {  	_ =	task [dreg:s7], $0x5FFFF  }
0xac: {  	[dreg:$0x1] =	wrdreg $0xFFFFFFFF  }
0xad: {  	[dreg:$0x0] =	wrdreg $0x60  }
0xae: {  	[dreg:$0x2] =	wrdreg s2  }
0xaf: {  	[dreg:$0x3] =	wrdreg s24  }
0xb0: {  	[dreg:$0x4] =	wrdreg $0x41000  }
0xb1: {  	[dreg:$0x5] =	wrdreg $0x9  }
0xb2: {  	_ =	task.clear_ibuf [dreg:s7], $0x6FFFF;
	_ =	strace $0x9000004C  }
0xb3: {  	s29 =	simm.s32 $0x9;
	_ =	strace $0x8000004E  }
0xb4: {  	_ =	swait.ge [sflag:s29], $0x1  }
0xb5: {  	[sflag:s29] =	ssyncadd.s32 $0xFFFFFFFF  }
0xb6: {  	_ =	strace $0x9000004E  }
0xb7: {  	_ =	sfence  }
0xb8: {  	s30 =	sld [smem:$0x0];
	_ =	sdelay $0x2  }
0xb9: {  	s31 =	sshll.u32 s1, $0xD;
	s1 =	sshrl.u32 s1, $0x2  }
0xba: {  	s3 =	sand.u32 $0x4000, s31;
	s1 =	sadd.s32 s1, s30  }
0xbb: {  	s0 =	sor.u32 s3, s0;
	s1 =	sshll.u32 s1, $0x11  }
0xbc: {  	s0 =	sor.u32 s1, s0  }
0xbd: {  	s0 =	sadd.s32 $0x8F2B, s0  }
0xbe: {  	[sflag:s0] =	ssyncadd.remote.s32 $0x1  }
0xbf: {  	_ =	sfence.sel $0xFFFF  }
0xc0: {  	[dreg:$0x0] =	wrdreg $0xFFFFFFFF;
	(pc) =	sbr.abs _section_cstart, $3  }
0xc1: {  	[dreg:$0x1] =	wrdreg $0xFFFFFFFF  }
0xc2: {  	_ =	task.clear_ibuf [dreg:s7], $0x2FFFF;
	_ =	strace $0x9FFFFFFF  }
0xc3: {  	(tm) =	ssettm $0x7FFFFFFF  }
tec
execute0_lowered:
.L_overlay_start_1:
0x0: {  	(tag) =	ssettag $0x1  }
0x1: {  	s0 =	rddreg [dreg:$0x0]  }
0x2: {  	s5 =	rddreg [dreg:$0x1];
	s1 =	srdreg.scid  }
0x3: {  	s3 =	rddreg [dreg:$0x2];
	s2 =	stileid.u32  }
0x4: {  	s4 =	simm.s32 $0x0;
	s13 =	simm.s32 $0x80;
	s8 =	smul.u32 $0x2800, s2  }
0x5: {  	s14 =	simm.s32 $0x100;
	s15 =	simm.s32 $0x1;
	s26 =	smul.u32 $0x50000, s2  }
0x6: {  	s6 =	sand.u32 $0x1, s1;
	s1 =	rddreg [dreg:$0x3];
	s30 =	smul.u32 $0x4F0, s2  }
0x7: {  	s16 =	simm.s32 $0x0;
	[smem:$0x7FF] =	sst s4;
	s7 =	smul.u32 $0x4F00, s6  }
0x8: {  	s31 =	sshll.u32 s2, $0x6;
	s9 =	smul.u32 $0x28000, s6;
	s6 =	ssub.s32 $0x2, s6  }
0x9: {  	_ =	strace $0x8000004D;
	s28 =	sshrl.u32 s6, $0x1;
	s29 =	sshrl.u32 s26, $0x2  }
0xa: {  	s10 =	sadd.s32 s7, s5;
	s25 =	sadd.s32 s8, s9;
	s8 =	sadd.s32 s8, s5  }
0xb: {  	s11 =	ssub.s32 s6, s28;
	s12 =	sadd.s32 s29, s3;
	s6 =	sor.u32 $0x1C02, s31  }
0xc: {  	s7 =	sadd.s32 s25, s5;
	s5 =	sadd.s32 $0xD600, s8;
	s10 =	sadd.s32 s30, s10  }
0xd: {  	s8 =	smax.u32 s11, $0x1;
	s11 =	sshrl.u32 s12, $0x3;
	s12 =	simm.s32 $0x2  }
0xe: {  	s7 =	sadd.s32 $0x8F400, s7;
	s9 =	sadd.s32 $0x3800, s10;
	s10 =	sadd.s32 $0x85600, s10  }
.LBB2_1:
0xf: {  	[spmem:s11], [sflag:s6] =	dma.local [hbm:s5], $0x2800  }
0x10: {  	_ =	swait.ge [sflag:s12], $0x2800  }
0x11: {  	[sflag:s12] =	ssyncset.done $0x0  }
0x12: {  	[sflag:s12] =	ssyncadd.s32 $0xFFFFD800  }
0x13: {  	s17 =	sadd.s32 $0x0, s10;
	[bflag:$0x0] =	sbarrier.arrive $0xFFFF  }
0x14: {  	[tilespmem:s4], [sflag:$0x2] =	stream.linear.gather [hbm4b:s17+s4], $0x80, $0x38;
	[tilespmem:$0x18100] =	vst v63  }
0x15: {  	_ =	swait.ge [sflag:s12], $0x80  }
0x16: {  	[sflag:s12] =	ssyncset.done $0x0  }
0x17: {  	s31 =	sadd.s32 $0x0, s9;
	[sflag:s12] =	ssyncadd.s32 $0xFFFFFF80  }
0x18: {  	[tilespmem:s13], [sflag:$0x2] =	stream.linear.gather [hbm4b:s31+s4], $0x80, $0x38;
	[tilespmem:$0x18100] =	vst v63  }
0x19: {  	_ =	swait.ge [sflag:s12], $0x80  }
0x1a: {  	[sflag:s12] =	ssyncset.done $0x0  }
0x1b: {  	[sflag:s12] =	ssyncadd.s32 $0xFFFFFF80  }
0x1c: {  	[tilespmem:s14], [sflag:$0x1] =	stream.indirect.gather [hbm4b:s0+s13], $0x80, s4, s13, $0xb8;
	[tilespmem:$0x18100] =	vst v63  }
0x1d: {  	_ =	swait.ge [sflag:s15], $0x4000  }
0x1e: {  	[sflag:s15] =	ssyncset.done $0x0  }
0x1f: {  	[sflag:s15] =	ssyncadd.s32 $0xFFFFC000  }
0x20: {  	[spmem:s3] =	stream.indirect.scatter.add.f32 [tilespmem:s14], [sflag:$0x2], $0x80, s13, s13, $0xb8;
	[tilespmem:$0x18100] =	vst v63  }
0x21: {  	_ =	swait.ge [sflag:s12], $0x4000  }
0x22: {  	s18 =	simm.s32 $0x20;
	s17 =	simm.s32 $0x10;
	[sflag:s12] =	ssyncset.done $0x0  }
.LBB2_2:
0x23: {  	s19 =	sadd.s32 s17, s10  }
0x24: {  	[sflag:s12] =	ssyncadd.s32 $0xFFFFC000;
	s20 =	smov.u32 s18;
	s21 =	sadd.s32 $0x10, s18  }
0x25: {  	[tilespmem:s4], [sflag:$0x2] =	stream.linear.gather [hbm4b:s19+s4], $0x80, $0x38;
	[tilespmem:$0x18100] =	vst v63  }
0x26: {  	p0 =	sne.s32 s18, $0x4E0;
	_ =	swait.ge [sflag:s12], $0x80  }
0x27: {  	[sflag:s12] =	ssyncset.done $0x0  }
0x28: {  	s18 =	sadd.s32 s17, s9;
	s17 =	smov.u32 s20;
	[sflag:s12] =	ssyncadd.s32 $0xFFFFFF80  }
0x29: {  	[tilespmem:s13], [sflag:$0x2] =	stream.linear.gather [hbm4b:s18+s4], $0x80, $0x38;
	[tilespmem:$0x18100] =	vst v63  }
0x2a: {  	_ =	swait.ge [sflag:s12], $0x80  }
0x2b: {  	[sflag:s12] =	ssyncset.done $0x0  }
0x2c: {  	[sflag:s12] =	ssyncadd.s32 $0xFFFFFF80  }
0x2d: {  	[tilespmem:s14], [sflag:$0x1] =	stream.indirect.gather [hbm4b:s0+s13], $0x80, s4, s13, $0xb8;
	[tilespmem:$0x18100] =	vst v63  }
0x2e: {  	_ =	swait.ge [sflag:s15], $0x4000  }
.Ltmp0:
0x2f: {  	[sflag:s15] =	ssyncset.done $0x0;
	(pc) =	sbr.rel @p0 .LBB2_2-.Ltmp0, $4  }
0x30: {  	[sflag:s15] =	ssyncadd.s32 $0xFFFFC000  }
0x31: {  	[spmem:s3] =	stream.indirect.scatter.add.f32 [tilespmem:s14], [sflag:$0x2], $0x80, s13, s13, $0xb8;
	[tilespmem:$0x18100] =	vst v63  }
0x32: {  	_ =	swait.ge [sflag:s12], $0x4000  }
0x33: {  	s18 =	smov.u32 s21;
	[sflag:s12] =	ssyncset.done $0x0  }
0x34: {  	s18 =	sadd.s32 s17, s10;
	[sflag:s12] =	ssyncadd.s32 $0xFFFFC000  }
0x35: {  	[tilespmem:s4], [sflag:$0x2] =	stream.linear.gather [hbm4b:s18+s4], $0x80, $0x38;
	[tilespmem:$0x18100] =	vst v63  }
0x36: {  	_ =	swait.ge [sflag:s12], $0x80  }
0x37: {  	[sflag:s12] =	ssyncset.done $0x0  }
0x38: {  	s31 =	sadd.s32 s17, s9;
	[sflag:s12] =	ssyncadd.s32 $0xFFFFFF80  }
0x39: {  	[tilespmem:s13], [sflag:$0x2] =	stream.linear.gather [hbm4b:s31+s4], $0x80, $0x38;
	[tilespmem:$0x18100] =	vst v63  }
0x3a: {  	_ =	swait.ge [sflag:s12], $0x80  }
0x3b: {  	[sflag:s12] =	ssyncset.done $0x0  }
0x3c: {  	[sflag:s12] =	ssyncadd.s32 $0xFFFFFF80  }
0x3d: {  	[tilespmem:s14], [sflag:$0x1] =	stream.indirect.gather [hbm4b:s0+s13], $0x80, s4, s13, $0xb8;
	[tilespmem:$0x18100] =	vst v63  }
0x3e: {  	_ =	swait.ge [sflag:s15], $0x4000  }
0x3f: {  	[sflag:s15] =	ssyncset.done $0x0  }
0x40: {  	[sflag:s15] =	ssyncadd.s32 $0xFFFFC000  }
0x41: {  	[spmem:s3] =	stream.indirect.scatter.add.f32 [tilespmem:s14], [sflag:$0x2], $0x80, s13, s13, $0xb8;
	[tilespmem:$0x18100] =	vst v63  }
0x42: {  	_ =	swait.ge [sflag:s12], $0x4000  }
0x43: {  	s16 =	sadd.s32 $0x1, s16;
	[sflag:s12] =	ssyncset.done $0x0  }
0x44: {  	p0 =	sne.s32 s16, s8;
	[sflag:s12] =	ssyncadd.s32 $0xFFFFC000  }
.Ltmp1:
0x45: {  	[bflag:$0x0] =	sbarrier.arrive $0xFFFF;
	(pc) =	sbr.rel @p0 .LBB2_1-.Ltmp1, $4  }
0x46: {  	[hbm:s7], [sflag:s6] =	dma.local [spmem:s11], $0x2800  }
0x47: {  	_ =	swait.ge [sflag:s12], $0x2800  }
0x48: {  	[sflag:s12] =	ssyncset.done $0x0  }
0x49: {  	[sflag:s12] =	ssyncadd.s32 $0xFFFFD800  }
0x4a: {  	_ =	sfence.sel $0x180000  }
0x4b: {  	[bflag:$0x0] =	sbarrier.arrive $0xFFFF  }
0x4c: {  	p0 =	sne.s32 s2, $0x0;
	_ =	strace $0x9000004D  }
0x4d: {  	s0 =	sadd.s32 @!p0 $0x100000, s1;
	[bflag:$0x2] =	sbarrier.arrive $0xFFFF  }
0x4e: {  	[sflag:s0] =	ssyncadd.tile.s32 @!p0 $0x1;
	_ =	shalt  }
.Lfunc_end2:
_tile_overlayer_lowered:
.L_overlay_start_2:
0x4f: {  	(tag) =	ssettag $0x2  }
0x50: {  	s0 =	rddreg [dreg:$0x0];
	s2 =	stileid.u32  }
0x51: {  	s1 =	rddreg [dreg:$0x1];
	p0 =	sne.s32 s2, $0x0  }
0x52: {  	s3 =	rddreg [dreg:$0x2];
	[bflag:$0x3] =	sbarrier.arrive $0xFFFF;
	s2 =	simm.s32 @!p0 $0x1C02  }
0x53: {  	[timem:s3], [sflag:s2] =	dma.local @!p0 [hbm:s0], s1  }
0x54: {  	s0 =	simm.s32 @!p0 $0x2  }
0x55: {  	_ =	swait.ge @!p0 [sflag:s0], s1  }
0x56: {  	s1 =	ssub.s32 @!p0 $0x0, s1;
	[sflag:s0] =	ssyncset.done @!p0 $0x0  }
0x57: {  	[sflag:s0] =	ssyncadd.s32 @!p0 s1  }
0x58: {  	[bflag:$0x3] =	sbarrier.arrive $0xFFFF  }
0x59: {  	_ =	shalt  }

// kernel: kernel.8.cloned.1.call-start
scs
__scs_entry_jumppad:
0x0: {  	(pc) =	sbr.rel $0x88, $3  }
0x1: {  	(tag) =	ssettag $0x0;
	lr =	simm.s32 $0x1  }
0x2: {  	[smem:$0x3F97] =	sst lr;
	_ =	strace $0xD0000000  }
0x3: {  	_ = 	snop  }
0x4: {  	_ = 	snop  }
0x5: {  	_ = 	snop  }
0x6: {  	_ = 	snop  }
0x7: {  	_ = 	snop  }
__scs_overlays_trampoline_lowered:
0x8: {  	[smem:$0x3FA6] =	sst s0  }
0x9: {  	[smem:$0x3FA7] =	sst s1  }
0xa: {  	[smem:$0x3FA8] =	sst s2  }
0xb: {  	[smem:$0x3FA9] =	sst s3  }
0xc: {  	[smem:$0x3FAA] =	sst s4  }
0xd: {  	[smem:$0x3FAB] =	sst s5  }
0xe: {  	[smem:$0x3FAC] =	sst s6  }
0xf: {  	[smem:$0x3FAD] =	sst s7  }
0x10: {  	[smem:$0x3FAE] =	sst s8  }
0x11: {  	[smem:$0x3FAF] =	sst s9;
	s0 =	simm.s32 @!p0 $0x0  }
0x12: {  	s1 =	sld [smem:$0x3F95];
	s0 =	simm.s32 @p0 $0x1  }
0x13: {  	[smem:$0x3FB0] =	sst s0;
	s0 =	simm.s32 @!p1 $0x0  }
0x14: {  	s2 =	sld [smem:$0x3F94];
	s0 =	simm.s32 @p1 $0x1  }
0x15: {  	[smem:$0x3FB1] =	sst s0;
	s0 =	simm.s32 @!p2 $0x0  }
0x16: {  	s3 =	sld [smem:$0x3FDB];
	s0 =	simm.s32 @p2 $0x1  }
0x17: {  	s4 =	simm.s32 $0x1BF5;
	[smem:$0x3FB3] =	sst s0  }
0x18: {  	s0 =	sld [smem:$0x3F96];
	_ =	swait.ge [sflag:s4], $0x0  }
0x19: {  	s7 =	sld [smem:$0x3F97]  }
0x1a: {  	s8 =	sadd.s32 $0xFFFFE003, lr  }
0x1b: {  	s9 =	sadd.s32 $0xFFFFFEF7, lr;
	s5 =	simm.s32 $0xFFFFFFFF;
	p2 =	slt.u32 s8, $0xFFFFF086  }
0x1c: {  	p1 =	slt.u32 s9, $0xF7A;
	s5 =	simm.s32 @!p2 $0x0  }
0x1d: {  	s5 =	simm.s32 @p1 $0x1;
	p0 =	seq.s32 s7, s2  }
0x1e: {  	s7 =	smul.u32 @!p0 $0xF7A, s2;
	p2 =	seq.s32 @!p0 s5, $0x0  }
0x1f: {  	s9 =	smul.u32 $0xF7A, s1;
	s8 =	simm.s32 @!p0 $0x1BF5;
	p2 =	por !p2, p0  }
0x20: {  	[sflag:s8] =	ssyncset.s32 @!p0 $0xFFFFF086;
	s6 =	sadd.s32 @!p0 s3, s7;
	s7 =	simm.s32 @!p0 $0x108  }
0x21: {  	s3 =	sadd.s32 s3, s9;
	s6 =	sadd.s32 @!p0 $0x88, s6;
	s7 =	simm.s32 @p2 $0x1082  }
0x22: {  	[simem:s7], [sflag:s8] =	dma.local @!p0 [hbm:s6], $0xF7A  }
0x23: {  	s9 =	sor.u32 $0xD0000000, s2;
	s6 =	simm.s32 $0x108;
	_ =	swait.ge @!p0 [sflag:s8], $0x0  }
0x24: {  	s3 =	sadd.s32 $0x88, s3;
	s6 =	simm.s32 @!p1 $0x1082;
	[sflag:s4] =	ssyncset.s32 $0xFFFFF086  }
0x25: {  	[simem:s6], [sflag:s4] =	dma.local [hbm:s3], $0xF7A  }
0x26: {  	[smem:$0x3F97] =	sst s1;
	(tag) =	ssettag s2;
	_ =	strace s9  }
0x27: {  	s1 =	sld [smem:$0x3FA7]  }
0x28: {  	s2 =	sld [smem:$0x3FA8]  }
0x29: {  	s4 =	sld [smem:$0x3FAA]  }
0x2a: {  	p0 =	seq.s32 s5, $0x0;
	s5 =	sld [smem:$0x3FAB]  }
0x2b: {  	s6 =	sld [smem:$0x3FAC]  }
0x2c: {  	s7 =	sld [smem:$0x3FAD]  }
0x2d: {  	s3 =	simm.s32 $0x108;
	s8 =	sld [smem:$0x3FAE]  }
0x2e: {  	s3 =	simm.s32 @!p0 $0x1082;
	s9 =	sld [smem:$0x3FAF]  }
0x2f: {  	lr =	sadd.s32 s0, s3;
	s0 =	sld [smem:$0x3FA6]  }
0x30: {  	s3 =	sld [smem:$0x3FA9]  }
0x31: {  	[smem:$0x3FB2] =	sst s10  }
0x32: {  	s10 =	sld [smem:$0x3FB0];
	_ =	sdelay $0x3  }
0x33: {  	p0 =	seq.s32 s10, $0x1;
	s10 =	sld [smem:$0x3FB2];
	_ =	sdelay $0x3  }
0x34: {  	[smem:$0x3FB2] =	sst s10  }
0x35: {  	s10 =	sld [smem:$0x3FB1];
	_ =	sdelay $0x3  }
0x36: {  	p1 =	seq.s32 s10, $0x1;
	s10 =	sld [smem:$0x3FB2];
	_ =	sdelay $0x3  }
0x37: {  	[smem:$0x3FB2] =	sst s10  }
0x38: {  	s10 =	sld [smem:$0x3FB3]  }
0x39: {  	_ = 	snop;
	(pc) =	sbr.ind lr, $3  }
0x3a: {  	_ = 	snop  }
0x3b: {  	_ = 	snop  }
0x3c: {  	p2 =	seq.s32 s10, $0x1;
	s10 =	sld [smem:$0x3FB2]  }
0x3d: {  	_ =	shalt  }
0x3e: {  	_ =	shalt  }
0x3f: {  	_ =	shalt  }
0x40: {  	_ =	shalt  }
0x41: {  	_ =	shalt  }
0x42: {  	_ =	shalt  }
0x43: {  	_ =	shalt  }
0x44: {  	_ =	shalt  }
0x45: {  	_ =	shalt  }
0x46: {  	_ =	shalt  }
0x47: {  	_ =	shalt  }
0x48: {  	_ =	shalt  }
0x49: {  	_ =	shalt  }
0x4a: {  	_ =	shalt  }
0x4b: {  	_ =	shalt  }
0x4c: {  	_ =	shalt  }
0x4d: {  	_ =	shalt  }
0x4e: {  	_ =	shalt  }
0x4f: {  	_ =	shalt  }
0x50: {  	_ =	shalt  }
0x51: {  	_ =	shalt  }
0x52: {  	_ =	shalt  }
0x53: {  	_ =	shalt  }
0x54: {  	_ =	shalt  }
0x55: {  	_ =	shalt  }
0x56: {  	_ =	shalt  }
0x57: {  	_ =	shalt  }
0x58: {  	_ =	shalt  }
0x59: {  	_ =	shalt  }
0x5a: {  	_ =	shalt  }
0x5b: {  	_ =	shalt  }
0x5c: {  	_ =	shalt  }
0x5d: {  	_ =	shalt  }
0x5e: {  	_ =	shalt  }
0x5f: {  	_ =	shalt  }
0x60: {  	_ =	shalt  }
0x61: {  	_ =	shalt  }
0x62: {  	_ =	shalt  }
0x63: {  	_ =	shalt  }
0x64: {  	_ =	shalt  }
0x65: {  	_ =	shalt  }
0x66: {  	_ =	shalt  }
0x67: {  	_ =	shalt  }
0x68: {  	_ =	shalt  }
0x69: {  	_ =	shalt  }
0x6a: {  	_ =	shalt  }
0x6b: {  	_ =	shalt  }
0x6c: {  	_ =	shalt  }
0x6d: {  	_ =	shalt  }
0x6e: {  	_ =	shalt  }
0x6f: {  	_ =	shalt  }
0x70: {  	_ =	shalt  }
0x71: {  	_ =	shalt  }
0x72: {  	_ =	shalt  }
0x73: {  	_ =	shalt  }
0x74: {  	_ =	shalt  }
0x75: {  	_ =	shalt  }
0x76: {  	_ =	shalt  }
0x77: {  	_ =	shalt  }
0x78: {  	_ =	shalt  }
0x79: {  	_ =	shalt  }
0x7a: {  	_ =	shalt  }
0x7b: {  	_ =	shalt  }
0x7c: {  	_ =	shalt  }
0x7d: {  	_ =	shalt  }
0x7e: {  	_ =	shalt  }
0x7f: {  	_ =	shalt  }
0x80: {  	_ =	shalt  }
0x81: {  	_ =	shalt  }
0x82: {  	_ =	shalt  }
0x83: {  	_ =	shalt  }
0x84: {  	_ =	shalt  }
0x85: {  	_ =	shalt  }
0x86: {  	_ =	shalt  }
0x87: {  	_ =	shalt  }
.Lfunc_end0:
.L_simem_size_0:
called_computation_lowered:
.L_overlay_start_0:
0x88: {  	s2 =	sld [smem:$0x3FD9]  }
0x89: {  	s3 =	sld [smem:$0x3FFE];
	_ =	sdelay $0x1  }
0x8a: {  	s1 =	srdreg.scid  }
0x8b: {  	s0 =	sand.u32 $0x1, s1  }
0x8c: {  	s17 =	sshll.u32 s0, $0xA;
	s2 =	sadd.s32 s3, s2  }
0x8d: {  	s2 =	sadd.s32 s2, s17  }
0x8e: {  	[smem:$0x3FBE] =	sst s2  }
0x8f: {  	_ = 	snop  }
0x90: {  	s2 =	sld [smem:$0x3FD0];
	(tm) =	ssettm $0x1  }
0x91: {  	s18 =	sld [smem:$0x3FFB];
	_ =	sdelay $0x3  }
0x92: {  	_ =	strace s18  }
0x93: {  	s3 =	sld [smem:$0x3FFC];
	_ =	sdelay $0x3  }
0x94: {  	_ =	strace s3  }
0x95: {  	s3 =	sld [smem:$0x3FFD];
	_ =	sdelay $0x3  }
0x96: {  	_ =	strace s3  }
0x97: {  	_ =	strace $0x8FFFFFFF  }
0x98: {  	s19 =	sld [smem:$0x3FDB];
	_ =	sdelay $0x1  }
0x99: {  	s4 =	simm.s32 $_scs_section_size  }
0x9a: {  	s5 =	simm.s32 $_size__tile_overlayer_lowered;
	s6 =	simm.s32 $_tile_overlayer_lowered  }
0x9b: {  	s22 =	simm.s32 $0x1BFF;
	s21 =	sshll.u32 s6, $0x1;
	s3 =	sadd.s32 s4, s19  }
0x9c: {  	s7 =	simm.s32 $0x0;
	s20 =	sshll.u32 s5, $0x1;
	s5 =	sadd.s32 s21, s3  }
0x9d: {  	[timem:s7], [sflag:s22] =	dma.local [hbm:s5], s20  }
0x9e: {  	_ =	swait.ge [sflag:s22], s20  }
0x9f: {  	s4 =	ssub.s32 $0x0, s20;
	[sflag:s22] =	ssyncset.done $0x0  }
0xa0: {  	[sflag:s22] =	ssyncadd.s32 s4;
	_ =	sdelay $0x1  }
0xa1: {  	s23 =	simm.s32 $0x1B8B  }
0xa2: {  	_ =	swait.ge [sflag:s23], $0x1  }
0xa3: {  	[sflag:s23] =	ssyncset.done $0x0  }
0xa4: {  	s25 =	simm.s32 $0x1B8E;
	s24 =	sld [smem:$0x3FFE];
	[sflag:s23] =	ssyncadd.s32 $0xFFFFFFFF  }
0xa5: {  	s26 =	simm.s32 $execute0_lowered;
	[smem:$0x3FD2] =	sst s25  }
0xa6: {  	s5 =	sshll.u32 s26, $0x1;
	_ =	strace $0x80000046;
	[dreg:$0x1] =	wrdreg $0xFFFFFFFF  }
0xa7: {  	s28 =	simm.s32 $_size_execute0_lowered;
	s3 =	sadd.s32 s3, s5;
	[dreg:$0x0] =	wrdreg $0x0  }
0xa8: {  	s5 =	sshll.u32 s28, $0x1;
	[dreg:$0x2] =	wrdreg s3  }
0xa9: {  	[dreg:$0x3] =	wrdreg s5  }
0xaa: {  	[dreg:$0x4] =	wrdreg $0xC0  }
0xab: {  	_ =	task [dreg:s7], $0x5FFFF  }
0xac: {  	[dreg:$0x1] =	wrdreg $0xFFFFFFFF  }
0xad: {  	[dreg:$0x0] =	wrdreg $0x60  }
0xae: {  	[dreg:$0x2] =	wrdreg s24  }
0xaf: {  	[dreg:$0x3] =	wrdreg s2  }
0xb0: {  	[dreg:$0x4] =	wrdreg $0x40800  }
0xb1: {  	[dreg:$0x5] =	wrdreg $0x9  }
0xb2: {  	_ =	task.clear_ibuf [dreg:s7], $0x6FFFF;
	_ =	strace $0x90000046  }
0xb3: {  	s29 =	simm.s32 $0x9;
	_ =	strace $0x80000048  }
0xb4: {  	_ =	swait.ge [sflag:s29], $0x1  }
0xb5: {  	[sflag:s29] =	ssyncadd.s32 $0xFFFFFFFF  }
0xb6: {  	_ =	strace $0x90000048  }
0xb7: {  	_ =	sfence  }
0xb8: {  	s30 =	sld [smem:$0x0];
	_ =	sdelay $0x2  }
0xb9: {  	s31 =	sshll.u32 s1, $0xD;
	s1 =	sshrl.u32 s1, $0x2  }
0xba: {  	s3 =	sand.u32 $0x4000, s31;
	s1 =	sadd.s32 s1, s30  }
0xbb: {  	s0 =	sor.u32 s3, s0;
	s1 =	sshll.u32 s1, $0x11  }
0xbc: {  	s0 =	sor.u32 s1, s0  }
0xbd: {  	s0 =	sadd.s32 $0x8F2B, s0  }
0xbe: {  	[sflag:s0] =	ssyncadd.remote.s32 $0x1  }
0xbf: {  	_ =	sfence.sel $0xFFFF  }
0xc0: {  	[dreg:$0x0] =	wrdreg $0xFFFFFFFF;
	(pc) =	sbr.abs _section_cstart, $3  }
0xc1: {  	[dreg:$0x1] =	wrdreg $0xFFFFFFFF  }
0xc2: {  	_ =	task.clear_ibuf [dreg:s7], $0x2FFFF;
	_ =	strace $0x9FFFFFFF  }
0xc3: {  	(tm) =	ssettm $0x7FFFFFFF  }
tec
execute0_lowered:
.L_overlay_start_1:
0x0: {  	(tag) =	ssettag $0x1  }
0x1: {  	s5 =	rddreg [dreg:$0x0];
	s3 =	srdreg.scid  }
0x2: {  	s1 =	rddreg [dreg:$0x1];
	s6 =	sand.u32 $0x1, s3  }
0x3: {  	s3 =	stileid.u32;
	s7 =	smul.u32 $0x4F00, s6  }
0x4: {  	s2 =	rddreg [dreg:$0x2];
	s4 =	simm.s32 $0x0;
	s8 =	smul.u32 $0x2800, s3  }
0x5: {  	[smem:$0x7FF] =	sst s4;
	s9 =	smul.u32 $0x28000, s6  }
0x6: {  	s0 =	rddreg [dreg:$0x3];
	_ =	strace $0x80000047;
	s11 =	smul.u32 $0x50000, s3  }
0x7: {  	s6 =	ssub.s32 $0x2, s6;
	s12 =	smul.u32 $0x4F0, s3;
	s31 =	sshll.u32 s3, $0x6  }
0x8: {  	s28 =	sshrl.u32 s6, $0x1;
	s7 =	sadd.s32 s7, s5;
	s10 =	sadd.s32 s8, s5  }
0x9: {  	s8 =	sadd.s32 s8, s9;
	s9 =	ssub.s32 s6, s28;
	s29 =	sshrl.u32 s11, $0x2  }
0xa: {  	s11 =	sor.u32 $0x1C01, s31;
	s8 =	sadd.s32 s8, s5;
	s13 =	sadd.s32 s29, s2  }
0xb: {  	s5 =	sadd.s32 $0xD600, s10;
	s30 =	sadd.s32 s12, s7;
	s7 =	smax.u32 s9, $0x1  }
0xc: {  	s9 =	simm.s32 $0x80;
	s10 =	simm.s32 $0x1;
	s6 =	sadd.s32 $0x35600, s8  }
0xd: {  	s8 =	sadd.s32 $0x3800, s30;
	s12 =	sshrl.u32 s13, $0x3;
	s13 =	simm.s32 $0x0  }
.LBB2_1:
0xe: {  	[tilespmem:s9], [sflag:$0x1] =	stream.linear.gather [hbm4b:s1+s4], $0x4000, $0x38;
	[tilespmem:$0x18080] =	vst v63  }
0xf: {  	_ =	swait.ge [sflag:s10], $0x4000  }
0x10: {  	[sflag:s10] =	ssyncset.done $0x0  }
0x11: {  	[sflag:s10] =	ssyncadd.s32 $0xFFFFC000  }
0x12: {  	[spmem:s12], [sflag:s11] =	dma.local [hbm:s5], $0x2800  }
0x13: {  	_ =	swait.ge [sflag:s10], $0x2800  }
0x14: {  	[sflag:s10] =	ssyncset.done $0x0  }
0x15: {  	[sflag:s10] =	ssyncadd.s32 $0xFFFFD800  }
0x16: {  	s14 =	sadd.s32 $0x0, s8;
	[bflag:$0x0] =	sbarrier.arrive $0xFFFF  }
0x17: {  	[tilespmem:s4], [sflag:$0x1] =	stream.linear.gather [hbm4b:s14+s4], $0x80, $0x38;
	[tilespmem:$0x18080] =	vst v63  }
0x18: {  	_ =	swait.ge [sflag:s10], $0x80  }
0x19: {  	[sflag:s10] =	ssyncset.done $0x0  }
0x1a: {  	[sflag:s10] =	ssyncadd.s32 $0xFFFFFF80  }
0x1b: {  	[spmem:s2] =	stream.indirect.scatter.add.f32 [tilespmem:s9], [sflag:$0x1], $0x80, s4, s9, $0xb8;
	[tilespmem:$0x18080] =	vst v63  }
0x1c: {  	_ =	swait.ge [sflag:s10], $0x4000  }
0x1d: {  	s15 =	simm.s32 $0x20;
	s14 =	simm.s32 $0x10;
	[sflag:s10] =	ssyncset.done $0x0  }
.LBB2_2:
0x1e: {  	s16 =	sadd.s32 s14, s8  }
0x1f: {  	[sflag:s10] =	ssyncadd.s32 $0xFFFFC000;
	s14 =	smov.u32 s15;
	s17 =	sadd.s32 $0x10, s15  }
0x20: {  	[tilespmem:s4], [sflag:$0x1] =	stream.linear.gather [hbm4b:s16+s4], $0x80, $0x38;
	[tilespmem:$0x18080] =	vst v63  }
0x21: {  	p0 =	sne.s32 s15, $0x4E0;
	_ =	swait.ge [sflag:s10], $0x80  }
.Ltmp0:
0x22: {  	[sflag:s10] =	ssyncset.done $0x0;
	(pc) =	sbr.rel @p0 .LBB2_2-.Ltmp0, $4  }
0x23: {  	[sflag:s10] =	ssyncadd.s32 $0xFFFFFF80  }
0x24: {  	[spmem:s2] =	stream.indirect.scatter.add.f32 [tilespmem:s9], [sflag:$0x1], $0x80, s4, s9, $0xb8;
	[tilespmem:$0x18080] =	vst v63  }
0x25: {  	_ =	swait.ge [sflag:s10], $0x4000  }
0x26: {  	s15 =	smov.u32 s17;
	[sflag:s10] =	ssyncset.done $0x0  }
0x27: {  	s14 =	sadd.s32 s14, s8;
	[sflag:s10] =	ssyncadd.s32 $0xFFFFC000  }
0x28: {  	[tilespmem:s4], [sflag:$0x1] =	stream.linear.gather [hbm4b:s14+s4], $0x80, $0x38;
	[tilespmem:$0x18080] =	vst v63  }
0x29: {  	_ =	swait.ge [sflag:s10], $0x80  }
0x2a: {  	[sflag:s10] =	ssyncset.done $0x0  }
0x2b: {  	[sflag:s10] =	ssyncadd.s32 $0xFFFFFF80  }
0x2c: {  	[spmem:s2] =	stream.indirect.scatter.add.f32 [tilespmem:s9], [sflag:$0x1], $0x80, s4, s9, $0xb8;
	[tilespmem:$0x18080] =	vst v63  }
0x2d: {  	_ =	swait.ge [sflag:s10], $0x4000  }
0x2e: {  	s13 =	sadd.s32 $0x1, s13;
	[sflag:s10] =	ssyncset.done $0x0  }
0x2f: {  	p0 =	sne.s32 s13, s7;
	[sflag:s10] =	ssyncadd.s32 $0xFFFFC000  }
.Ltmp1:
0x30: {  	[bflag:$0x0] =	sbarrier.arrive $0xFFFF;
	(pc) =	sbr.rel @p0 .LBB2_1-.Ltmp1, $4  }
0x31: {  	[hbm:s6], [sflag:s11] =	dma.local [spmem:s12], $0x2800  }
0x32: {  	_ =	swait.ge [sflag:s10], $0x2800  }
0x33: {  	[sflag:s10] =	ssyncset.done $0x0  }
0x34: {  	[sflag:s10] =	ssyncadd.s32 $0xFFFFD800  }
0x35: {  	_ =	sfence.sel $0x180000  }
0x36: {  	[bflag:$0x0] =	sbarrier.arrive $0xFFFF  }
0x37: {  	p0 =	sne.s32 s3, $0x0;
	_ =	strace $0x90000047  }
0x38: {  	s0 =	sadd.s32 @!p0 $0x100000, s0;
	[bflag:$0x2] =	sbarrier.arrive $0xFFFF  }
0x39: {  	[sflag:s0] =	ssyncadd.tile.s32 @!p0 $0x1;
	_ =	shalt  }
.Lfunc_end2:
_tile_overlayer_lowered:
.L_overlay_start_2:
0x3a: {  	(tag) =	ssettag $0x2  }
0x3b: {  	s0 =	rddreg [dreg:$0x0];
	s2 =	stileid.u32  }
0x3c: {  	s1 =	rddreg [dreg:$0x1];
	p0 =	sne.s32 s2, $0x0  }
0x3d: {  	s3 =	rddreg [dreg:$0x2];
	[bflag:$0x3] =	sbarrier.arrive $0xFFFF;
	s2 =	simm.s32 @!p0 $0x1C01  }
0x3e: {  	[timem:s3], [sflag:s2] =	dma.local @!p0 [hbm:s0], s1  }
0x3f: {  	s0 =	simm.s32 @!p0 $0x1  }
0x40: {  	_ =	swait.ge @!p0 [sflag:s0], s1  }
0x41: {  	s1 =	ssub.s32 @!p0 $0x0, s1;
	[sflag:s0] =	ssyncset.done @!p0 $0x0  }
0x42: {  	[sflag:s0] =	ssyncadd.s32 @!p0 s1  }
0x43: {  	[bflag:$0x3] =	sbarrier.arrive $0xFFFF  }
0x44: {  	_ =	shalt  }

</sc_bundles>
